<compile_context>
chip_gen: v7x
topology: tpu7x:2x2x1
jax: 0.10.2.dev20260603
libtpu: 0.0.44.dev20260713+nightly
codegen_flags: <defaults>
</compile_context>

<pallas_src>
import functools

import jax
import jax.numpy as jnp
from jax.experimental import pallas as pl
from jax.experimental.pallas import tpu as pltpu
from jax.experimental.pallas import tpu_sc as plsc

N_NODES = 10000
N_EDGES = 320000
D = 128

NC = 2
NS = 16
NW = NC * NS
NP = 10240
CH = 80
EPW = CH * 128
RPT = NP // NS
SB = 40

_mesh = plsc.VectorSubcoreMesh(
    core_axis_name="c", subcore_axis_name="s", num_cores=NC, num_subcores=NS)


def _deg_body(srcr, dstr, zeros_np, ones_hbm, dsrc_out, ddst_out,
              sidx, didx, ones_v, hs, hd, sems, semd):
    c = jax.lax.axis_index("c")
    s = jax.lax.axis_index("s")
    w = s * NC + c
    pltpu.sync_copy(srcr.at[w], sidx)
    pltpu.sync_copy(dstr.at[w], didx)
    pltpu.sync_copy(ones_hbm, ones_v)

    @pl.when(s == 0)
    def _():
        pltpu.sync_copy(zeros_np, hs)
        pltpu.sync_copy(zeros_np, hd)

    plsc.subcore_barrier()

    def wave(b, carry):
        def fire(j, carry2):
            pltpu.async_copy(ones_v, hs.at[sidx.at[b * 16 + j]], sems, add=True)
            pltpu.async_copy(ones_v, hd.at[didx.at[b * 16 + j]], semd, add=True)
            return carry2

        jax.lax.fori_loop(0, 16, fire, 0)

        def drain(j, carry2):
            pltpu.make_async_copy(ones_v, hs.at[sidx.at[0]], sems).wait()
            pltpu.make_async_copy(ones_v, hd.at[didx.at[0]], semd).wait()
            return carry2

        jax.lax.fori_loop(0, 16, drain, 0)
        return carry

    jax.lax.fori_loop(0, CH // 16, wave, 0)
    plsc.subcore_barrier()

    @pl.when(s == 0)
    def _():
        pltpu.sync_copy(hs, dsrc_out.at[c])
        pltpu.sync_copy(hd, ddst_out.at[c])


_deg_call = functools.partial(
    pl.kernel,
    out_type=[
        jax.ShapeDtypeStruct((NC, NP), jnp.float32),
        jax.ShapeDtypeStruct((NC, NP), jnp.float32),
    ],
    mesh=_mesh,
    scratch_types=[
        pltpu.VMEM((CH, 128), jnp.int32),
        pltpu.VMEM((CH, 128), jnp.int32),
        pltpu.VMEM((128,), jnp.float32),
        pltpu.VMEM_SHARED((NP,), jnp.float32),
        pltpu.VMEM_SHARED((NP,), jnp.float32),
        pltpu.SemaphoreType.DMA,
        pltpu.SemaphoreType.DMA,
    ],
)(_deg_body)


def _agg_body(h, srcr, dstr, zrows, out, sblk, dblk, rows0, rows1, aggsh,
              sem0, sem1):
    c = jax.lax.axis_index("c")
    s = jax.lax.axis_index("s")
    pltpu.sync_copy(zrows, aggsh.at[pl.ds(s * RPT, RPT)])
    plsc.subcore_barrier()

    base = (c * NS + s) * CH

    def wait_gather(buf, sem):
        pltpu.make_async_copy(h.at[pl.ds(0, 128)], buf, sem).wait()

    def do_superchunk(row0):
        pltpu.sync_copy(srcr.at[pl.ds(row0, SB)], sblk)
        pltpu.sync_copy(dstr.at[pl.ds(row0, SB)], dblk)
        pltpu.async_copy(h.at[sblk.at[0]], rows0, sem0)

        def inner(i, carry2):
            j0 = 2 * i
            j1 = j0 + 1
            pltpu.async_copy(h.at[sblk.at[j1]], rows1, sem1)
            wait_gather(rows0, sem0)
            pltpu.sync_copy(rows0, aggsh.at[dblk.at[j0]], add=True)

            @pl.when(i < SB // 2 - 1)
            def _():
                pltpu.async_copy(h.at[sblk.at[j0 + 2]], rows0, sem0)

            wait_gather(rows1, sem1)
            pltpu.sync_copy(rows1, aggsh.at[dblk.at[j1]], add=True)
            return carry2

        jax.lax.fori_loop(0, SB // 2, inner, 0)

    def outer(b, carry):
        do_superchunk(base + b * SB)
        return carry

    jax.lax.fori_loop(0, CH // SB, outer, 0)
    plsc.subcore_barrier()
    pltpu.sync_copy(aggsh.at[pl.ds(s * RPT, RPT)],
                    out.at[c, pl.ds(s * RPT, RPT)])


_agg_call = functools.partial(
    pl.kernel,
    out_type=jax.ShapeDtypeStruct((NC, NP, D), jnp.float32),
    mesh=_mesh,
    scratch_types=[
        pltpu.VMEM((SB, 128), jnp.int32),
        pltpu.VMEM((SB, 128), jnp.int32),
        pltpu.VMEM((128, D), jnp.float32),
        pltpu.VMEM((128, D), jnp.float32),
        pltpu.VMEM_SHARED((NP, D), jnp.float32),
        pltpu.SemaphoreType.DMA,
        pltpu.SemaphoreType.DMA,
    ],
)(_agg_body)


def _prep_body(x_ref, ds_ref, dd_ref, h_ref, nd_ref):
    ds = jnp.sum(ds_ref[...], axis=0)
    dd = jnp.sum(dd_ref[...], axis=0)
    ns = jax.lax.rsqrt(jnp.maximum(ds, 1.0))
    h_ref[...] = x_ref[...] * ns[:, None]
    nd_ref[...] = jax.lax.rsqrt(jnp.maximum(dd, 1.0)).reshape(NP, 1)


def _head_body(p_ref, nd_ref, wg_ref, bg_ref, wc_ref, bc_ref, ws_ref, bs_ref,
               z_ref, y_ref, s_ref):
    agg = ((p_ref[0, :N_NODES] + p_ref[1, :N_NODES])
           * nd_ref[...][:N_NODES])
    z = jnp.dot(agg, wg_ref[...], preferred_element_type=jnp.float32)
    z = jnp.maximum(z + bg_ref[...], 0.0)
    z_ref[...] = z
    y_ref[...] = jnp.dot(z, wc_ref[...],
                         preferred_element_type=jnp.float32) + bc_ref[...]
    s_ref[...] = jnp.dot(z, ws_ref[...],
                         preferred_element_type=jnp.float32) + bs_ref[...]


def kernel(x, edge_index, W_gcn, b_gcn, W_cls, b_cls, W_sen, b_sen):
    src = edge_index[0]
    dst = edge_index[1]
    pad = NW * EPW - N_EDGES
    padv = N_NODES + jnp.arange(pad, dtype=jnp.int32) % (NP - N_NODES)
    srcr = jnp.concatenate([src, padv]).reshape(NW, CH, 128)
    dstr = jnp.concatenate([dst, padv]).reshape(NW, CH, 128)
    x_pad = jnp.pad(x, ((0, NP - N_NODES), (0, 0)))
    zeros_np = jnp.zeros((NP,), jnp.float32)
    zeros_rows = jnp.zeros((RPT, D), jnp.float32)
    ones_128 = jnp.ones((128,), jnp.float32)

    dsrc_p, ddst_p = _deg_call(srcr, dstr, zeros_np, ones_128)

    h, nd = pl.pallas_call(
        _prep_body,
        out_shape=[
            jax.ShapeDtypeStruct((NP, D), jnp.float32),
            jax.ShapeDtypeStruct((NP, 1), jnp.float32),
        ],
    )(x_pad, dsrc_p, ddst_p)

    parts = _agg_call(h, srcr.reshape(NW * CH, 128),
                      dstr.reshape(NW * CH, 128), zeros_rows)

    z, y, s = pl.pallas_call(
        _head_body,
        out_shape=[
            jax.ShapeDtypeStruct((N_NODES, D), jnp.float32),
            jax.ShapeDtypeStruct((N_NODES, 1), jnp.float32),
            jax.ShapeDtypeStruct((N_NODES, 1), jnp.float32),
        ],
    )(parts, nd, W_gcn, b_gcn.reshape(1, D), W_cls, b_cls.reshape(1, 1),
      W_sen, b_sen.reshape(1, 1))

    return (z, y, s)

# --- scband reference (transcript-rebuilt; emitter-appended) ---
"""Pipeline reference for scband-fair-ac-gnn-22505628631104 (READ-ONLY COPY).

The authoritative reference and input builder live on the scoring server;
editing this copy changes nothing except your own understanding.
"""

import jax, jax.numpy as jnp
import numpy as np

N = 10000
E = 320000
D_FEAT = 128
N_HID = 128


def setup_inputs(seed: int = 0) -> dict:
    key = jax.random.key(seed)
    ks = jax.random.split(key, 8)
    x = jax.random.normal(ks[0], (N, D_FEAT), dtype=jnp.float32)
    edge_index = jax.random.randint(ks[1], (2, E), 0, N, dtype=jnp.int32)
    W_gcn = jax.random.normal(ks[2], (D_FEAT, N_HID), dtype=jnp.float32) * 0.05
    b_gcn = jnp.zeros((N_HID,), dtype=jnp.float32)
    W_cls = jax.random.normal(ks[3], (N_HID, 1), dtype=jnp.float32) * 0.05
    b_cls = jnp.zeros((1,), dtype=jnp.float32)
    W_sen = jax.random.normal(ks[4], (N_HID, 1), dtype=jnp.float32) * 0.05
    b_sen = jnp.zeros((1,), dtype=jnp.float32)
    return {"x": x, "edge_index": edge_index, "W_gcn": W_gcn, "b_gcn": b_gcn,
            "W_cls": W_cls, "b_cls": b_cls, "W_sen": W_sen, "b_sen": b_sen}


def _gcn_body(x, edge_index, W_gcn, b_gcn):
    # DGL GraphConv(norm='both') style: D^{-1/2} A D^{-1/2} X W + b, then ReLU
    src = edge_index[0]
    dst = edge_index[1]
    ones = jnp.ones((E,), dtype=jnp.float32)
    deg_out = jax.ops.segment_sum(ones, src, num_segments=N)
    deg_in = jax.ops.segment_sum(ones, dst, num_segments=N)
    norm_src = jax.lax.rsqrt(jnp.maximum(deg_out, 1.0))
    norm_dst = jax.lax.rsqrt(jnp.maximum(deg_in, 1.0))
    h = x * norm_src[:, None]
    msgs = jnp.take(h, src, axis=0)                      # gather (SparseCore)
    agg = jnp.zeros((N, x.shape[1]), dtype=x.dtype).at[dst].add(msgs)  # scatter-add
    agg = agg * norm_dst[:, None]
    z = agg @ W_gcn + b_gcn
    return jax.nn.relu(z)


def reference(x, edge_index, W_gcn, b_gcn, W_cls, b_cls, W_sen, b_sen):
    z = _gcn_body(x, edge_index, W_gcn, b_gcn)
    y = z @ W_cls + b_cls
    s = z @ W_sen + b_sen
    return (z, y, s)

if __name__ == "__main__":
    import jax
    _d = setup_inputs()
    print(jax.jit(kernel)(*tuple(_d.values())))

</pallas_src>

<mosaic_0001>
#map = affine_map<(d0, d1) -> (0, 0)>
#map1 = affine_map<(d0, d1) -> (0, 0, 0)>
module attributes {stable_mosaic.version = 14 : i64} {
  func.func @_agg_body(%arg0: i32, %arg1: i32, %arg2: memref<10240x128xf32, #tpu.memory_space<hbm>>, %arg3: memref<2560x128xi32, #tpu.memory_space<hbm>>, %arg4: memref<2560x128xi32, #tpu.memory_space<hbm>>, %arg5: memref<640x128xf32, #tpu.memory_space<hbm>>, %arg6: memref<2x10240x128xf32, #tpu.memory_space<hbm>>, %arg7: memref<40x128xi32, #tpu.memory_space<vmem>>, %arg8: memref<40x128xi32, #tpu.memory_space<vmem>>, %arg9: memref<128x128xf32, #tpu.memory_space<vmem>>, %arg10: memref<128x128xf32, #tpu.memory_space<vmem>>, %arg11: memref<10240x128xf32, #tpu.memory_space<vmem_shared>>, %arg12: memref<!tpu.dma_semaphore, #tpu.memory_space<semaphore_mem>>, %arg13: memref<!tpu.dma_semaphore, #tpu.memory_space<semaphore_mem>>) attributes {dimension_semantics = [#tpu.dimension_semantics<core_parallel>, #tpu.dimension_semantics<subcore_parallel>], iteration_bounds = array<i64: 2, 16>, scalar_prefetch = 0 : i64, scratch_operands = 7 : i64, tpu.core_type = #tpu.core_type<sc_vector_subcore>, window_params = [{transform_indices = #map}, {transform_indices = #map}, {transform_indices = #map}, {transform_indices = #map}, {transform_indices = #map1}]} {
    %mul3A = arith.constant 640 : i32
    %mul3A_0 = arith.muli %arg1, %mul3A : i32
    "tpu.region"() ({
      %run_scoped3A = tpu.sem_alloc : memref<!tpu.dma_semaphore, #tpu.memory_space<semaphore_mem>>
      %dma_start3A = arith.constant 0 : i32
      %dma_start3A_15 = tpu.memref_slice %arg11[%mul3A_0, %dma_start3A] : memref<10240x128xf32, #tpu.memory_space<vmem_shared>> -> memref<640x128xf32, #tpu.memory_space<vmem_shared>>
      tpu.enqueue_dma source(%arg5 : memref<640x128xf32, #tpu.memory_space<hbm>>) target(%dma_start3A_15 : memref<640x128xf32, #tpu.memory_space<vmem_shared>>) target_semaphore(%run_scoped3A : memref<!tpu.dma_semaphore, #tpu.memory_space<semaphore_mem>>)
      %dma_wait3A = arith.constant 0 : i32
      %dma_wait3A_16 = tpu.memref_slice %arg11[%mul3A_0, %dma_wait3A] : memref<10240x128xf32, #tpu.memory_space<vmem_shared>> -> memref<640x128xf32, #tpu.memory_space<vmem_shared>>
      tpu.wait_dma2 semaphore(%run_scoped3A : memref<!tpu.dma_semaphore, #tpu.memory_space<semaphore_mem>>) src(%arg5 : memref<640x128xf32, #tpu.memory_space<hbm>>) dst(%dma_wait3A_16 : memref<640x128xf32, #tpu.memory_space<vmem_shared>>)
      tpu.yield
    }) : () -> ()
    %barrier3A = arith.constant 0 : index
    tpu.barrier barrier_id(%barrier3A)
    %mul3A_1 = arith.constant 16 : i32
    %mul3A_2 = arith.muli %arg0, %mul3A_1 : i32
    %add3A = arith.addi %mul3A_2, %arg1 : i32
    %mul3A_3 = arith.constant 80 : i32
    %mul3A_4 = arith.muli %add3A, %mul3A_3 : i32
    %scan3A = arith.constant 0 : i32
    %scan3A_5 = arith.constant 0 : i32
    %scan3A_6 = arith.constant 2 : i32
    %scan3A_7 = arith.addi %scan3A_5, %scan3A_6 : i32
    %scan3A_8 = arith.constant 1 : i32
    scf.for %scan3A_15 = %scan3A_5 to %scan3A_7 step %scan3A_8  : i32 {
      %mul3A_16 = arith.constant 40 : i32
      %mul3A_17 = arith.muli %scan3A_15, %mul3A_16 : i32
      %add3A_18 = arith.addi %mul3A_4, %mul3A_17 : i32
      "tpu.region"() ({
        %run_scoped3A = tpu.sem_alloc : memref<!tpu.dma_semaphore, #tpu.memory_space<semaphore_mem>>
        %dma_start3A_31 = arith.constant 0 : i32
        %dma_start3A_32 = tpu.memref_slice %arg3[%add3A_18, %dma_start3A_31] : memref<2560x128xi32, #tpu.memory_space<hbm>> -> memref<40x128xi32, #tpu.memory_space<hbm>>
        %dma_start3A_33 = arith.constant 0 : i32
        %dma_start3A_34 = tpu.memref_slice %arg3[%add3A_18, %dma_start3A_33] : memref<2560x128xi32, #tpu.memory_space<hbm>> -> memref<40x128xi32, #tpu.memory_space<hbm>>
        tpu.enqueue_dma source(%dma_start3A_34 : memref<40x128xi32, #tpu.memory_space<hbm>>) target(%arg7 : memref<40x128xi32, #tpu.memory_space<vmem>>) target_semaphore(%run_scoped3A : memref<!tpu.dma_semaphore, #tpu.memory_space<semaphore_mem>>)
        %dma_wait3A = arith.constant 0 : i32
        %dma_wait3A_35 = tpu.memref_slice %arg3[%add3A_18, %dma_wait3A] : memref<2560x128xi32, #tpu.memory_space<hbm>> -> memref<40x128xi32, #tpu.memory_space<hbm>>
        %dma_wait3A_36 = arith.constant 0 : i32
        %dma_wait3A_37 = tpu.memref_slice %arg3[%add3A_18, %dma_wait3A_36] : memref<2560x128xi32, #tpu.memory_space<hbm>> -> memref<40x128xi32, #tpu.memory_space<hbm>>
        tpu.wait_dma2 semaphore(%run_scoped3A : memref<!tpu.dma_semaphore, #tpu.memory_space<semaphore_mem>>) src(%dma_wait3A_37 : memref<40x128xi32, #tpu.memory_space<hbm>>) dst(%arg7 : memref<40x128xi32, #tpu.memory_space<vmem>>)
        tpu.yield
      }) : () -> ()
      "tpu.region"() ({
        %run_scoped3A = tpu.sem_alloc : memref<!tpu.dma_semaphore, #tpu.memory_space<semaphore_mem>>
        %dma_start3A_31 = arith.constant 0 : i32
        %dma_start3A_32 = tpu.memref_slice %arg4[%add3A_18, %dma_start3A_31] : memref<2560x128xi32, #tpu.memory_space<hbm>> -> memref<40x128xi32, #tpu.memory_space<hbm>>
        %dma_start3A_33 = arith.constant 0 : i32
        %dma_start3A_34 = tpu.memref_slice %arg4[%add3A_18, %dma_start3A_33] : memref<2560x128xi32, #tpu.memory_space<hbm>> -> memref<40x128xi32, #tpu.memory_space<hbm>>
        tpu.enqueue_dma source(%dma_start3A_34 : memref<40x128xi32, #tpu.memory_space<hbm>>) target(%arg8 : memref<40x128xi32, #tpu.memory_space<vmem>>) target_semaphore(%run_scoped3A : memref<!tpu.dma_semaphore, #tpu.memory_space<semaphore_mem>>)
        %dma_wait3A = arith.constant 0 : i32
        %dma_wait3A_35 = tpu.memref_slice %arg4[%add3A_18, %dma_wait3A] : memref<2560x128xi32, #tpu.memory_space<hbm>> -> memref<40x128xi32, #tpu.memory_space<hbm>>
        %dma_wait3A_36 = arith.constant 0 : i32
        %dma_wait3A_37 = tpu.memref_slice %arg4[%add3A_18, %dma_wait3A_36] : memref<2560x128xi32, #tpu.memory_space<hbm>> -> memref<40x128xi32, #tpu.memory_space<hbm>>
        tpu.wait_dma2 semaphore(%run_scoped3A : memref<!tpu.dma_semaphore, #tpu.memory_space<semaphore_mem>>) src(%dma_wait3A_37 : memref<40x128xi32, #tpu.memory_space<hbm>>) dst(%arg8 : memref<40x128xi32, #tpu.memory_space<vmem>>)
        tpu.yield
      }) : () -> ()
      %dma_start3A = arith.constant 0 : i32
      %dma_start3A_19 = arith.constant 0 : i32
      %dma_start3A_20 = tpu.memref_slice %arg7[%dma_start3A, %dma_start3A_19] : memref<40x128xi32, #tpu.memory_space<vmem>> -> memref<1x128xi32, #tpu.memory_space<vmem>>
      %dma_start3A_21 = tpu.memref_squeeze %dma_start3A_20 : memref<1x128xi32, #tpu.memory_space<vmem>> -> memref<128xi32, #tpu.memory_space<vmem>>
      %dma_start3A_22 = arith.constant 0 : i32
      %dma_start3A_23 = arith.constant 0 : i32
      %dma_start3A_24 = tpu.memref_slice %arg2[%dma_start3A_22, %dma_start3A_23] : memref<10240x128xf32, #tpu.memory_space<hbm>> -> memref<10240x128xf32, #tpu.memory_space<hbm>>
      tpu.enqueue_indirect_dma source(%dma_start3A_24 : memref<10240x128xf32, #tpu.memory_space<hbm>>) target(%arg9 : memref<128x128xf32, #tpu.memory_space<vmem>>) offsets(%dma_start3A_21 : memref<128xi32, #tpu.memory_space<vmem>>) semaphore(%arg12 : memref<!tpu.dma_semaphore, #tpu.memory_space<semaphore_mem>>)
      %scan3A_25 = arith.constant 0 : i32
      %scan3A_26 = arith.constant 0 : i32
      %scan3A_27 = arith.constant 20 : i32
      %scan3A_28 = arith.addi %scan3A_26, %scan3A_27 : i32
      %scan3A_29 = arith.constant 1 : i32
      scf.for %scan3A_31 = %scan3A_26 to %scan3A_28 step %scan3A_29  : i32 {
        %mul3A_32 = arith.constant 2 : i32
        %mul3A_33 = arith.muli %mul3A_32, %scan3A_31 : i32
        %add3A_34 = arith.constant 1 : i32
        %add3A_35 = arith.addi %mul3A_33, %add3A_34 : i32
        %dma_start3A_36 = arith.constant 0 : i32
        %dma_start3A_37 = tpu.memref_slice %arg7[%add3A_35, %dma_start3A_36] : memref<40x128xi32, #tpu.memory_space<vmem>> -> memref<1x128xi32, #tpu.memory_space<vmem>>
        %dma_start3A_38 = tpu.memref_squeeze %dma_start3A_37 : memref<1x128xi32, #tpu.memory_space<vmem>> -> memref<128xi32, #tpu.memory_space<vmem>>
        %dma_start3A_39 = arith.constant 0 : i32
        %dma_start3A_40 = arith.constant 0 : i32
        %dma_start3A_41 = tpu.memref_slice %arg2[%dma_start3A_39, %dma_start3A_40] : memref<10240x128xf32, #tpu.memory_space<hbm>> -> memref<10240x128xf32, #tpu.memory_space<hbm>>
        tpu.enqueue_indirect_dma source(%dma_start3A_41 : memref<10240x128xf32, #tpu.memory_space<hbm>>) target(%arg10 : memref<128x128xf32, #tpu.memory_space<vmem>>) offsets(%dma_start3A_38 : memref<128xi32, #tpu.memory_space<vmem>>) semaphore(%arg13 : memref<!tpu.dma_semaphore, #tpu.memory_space<semaphore_mem>>)
        %dma_wait3A = arith.constant 0 : i32
        %dma_wait3A_42 = arith.constant 0 : i32
        %dma_wait3A_43 = tpu.memref_slice %arg2[%dma_wait3A, %dma_wait3A_42] : memref<10240x128xf32, #tpu.memory_space<hbm>> -> memref<128x128xf32, #tpu.memory_space<hbm>>
        %dma_wait3A_44 = arith.constant 0 : i32
        %dma_wait3A_45 = arith.constant 0 : i32
        %dma_wait3A_46 = tpu.memref_slice %arg2[%dma_wait3A_44, %dma_wait3A_45] : memref<10240x128xf32, #tpu.memory_space<hbm>> -> memref<128x128xf32, #tpu.memory_space<hbm>>
        tpu.wait_dma2 semaphore(%arg12 : memref<!tpu.dma_semaphore, #tpu.memory_space<semaphore_mem>>) src(%dma_wait3A_46 : memref<128x128xf32, #tpu.memory_space<hbm>>) dst(%arg9 : memref<128x128xf32, #tpu.memory_space<vmem>>)
        "tpu.region"() ({
          %run_scoped3A = tpu.sem_alloc : memref<!tpu.dma_semaphore, #tpu.memory_space<semaphore_mem>>
          %dma_start3A_55 = arith.constant 0 : i32
          %dma_start3A_56 = tpu.memref_slice %arg8[%mul3A_33, %dma_start3A_55] : memref<40x128xi32, #tpu.memory_space<vmem>> -> memref<1x128xi32, #tpu.memory_space<vmem>>
          %dma_start3A_57 = tpu.memref_squeeze %dma_start3A_56 : memref<1x128xi32, #tpu.memory_space<vmem>> -> memref<128xi32, #tpu.memory_space<vmem>>
          %dma_start3A_58 = arith.constant 0 : i32
          %dma_start3A_59 = arith.constant 0 : i32
          %dma_start3A_60 = tpu.memref_slice %arg11[%dma_start3A_58, %dma_start3A_59] : memref<10240x128xf32, #tpu.memory_space<vmem_shared>> -> memref<10240x128xf32, #tpu.memory_space<vmem_shared>>
          tpu.enqueue_indirect_dma source(%arg9 : memref<128x128xf32, #tpu.memory_space<vmem>>) target(%dma_start3A_60 : memref<10240x128xf32, #tpu.memory_space<vmem_shared>>) offsets(%dma_start3A_57 : memref<128xi32, #tpu.memory_space<vmem>>) semaphore(%run_scoped3A : memref<!tpu.dma_semaphore, #tpu.memory_space<semaphore_mem>>) {add = true}
          %dma_wait3A_61 = arith.constant 0 : i32
          %dma_wait3A_62 = tpu.memref_slice %arg8[%mul3A_33, %dma_wait3A_61] : memref<40x128xi32, #tpu.memory_space<vmem>> -> memref<1x128xi32, #tpu.memory_space<vmem>>
          %dma_wait3A_63 = tpu.memref_squeeze %dma_wait3A_62 : memref<1x128xi32, #tpu.memory_space<vmem>> -> memref<128xi32, #tpu.memory_space<vmem>>
          %dma_wait3A_64 = arith.constant 0 : i32
          %dma_wait3A_65 = arith.constant 0 : i32
          %dma_wait3A_66 = tpu.memref_slice %arg11[%dma_wait3A_64, %dma_wait3A_65] : memref<10240x128xf32, #tpu.memory_space<vmem_shared>> -> memref<10240x128xf32, #tpu.memory_space<vmem_shared>>
          tpu.wait_indirect_dma semaphore(%run_scoped3A : memref<!tpu.dma_semaphore, #tpu.memory_space<semaphore_mem>>) src(%arg9 : memref<128x128xf32, #tpu.memory_space<vmem>>) dst(%dma_wait3A_66 : memref<10240x128xf32, #tpu.memory_space<vmem_shared>>)
          tpu.yield
        }) : () -> ()
        %lt3A = arith.constant 19 : i32
        %lt3A_47 = arith.cmpi slt, %scan3A_31, %lt3A : i32
        %convert_element_type3A = arith.extui %lt3A_47 : i1 to i32
        %cond3A = arith.constant 0 : i32
        %cond3A_48 = arith.cmpi ne, %convert_element_type3A, %cond3A : i32
        scf.if %cond3A_48 {
          %add3A_55 = arith.constant 2 : i32
          %add3A_56 = arith.addi %mul3A_33, %add3A_55 : i32
          %dma_start3A_57 = arith.constant 0 : i32
          %dma_start3A_58 = tpu.memref_slice %arg7[%add3A_56, %dma_start3A_57] : memref<40x128xi32, #tpu.memory_space<vmem>> -> memref<1x128xi32, #tpu.memory_space<vmem>>
          %dma_start3A_59 = tpu.memref_squeeze %dma_start3A_58 : memref<1x128xi32, #tpu.memory_space<vmem>> -> memref<128xi32, #tpu.memory_space<vmem>>
          %dma_start3A_60 = arith.constant 0 : i32
          %dma_start3A_61 = arith.constant 0 : i32
          %dma_start3A_62 = tpu.memref_slice %arg2[%dma_start3A_60, %dma_start3A_61] : memref<10240x128xf32, #tpu.memory_space<hbm>> -> memref<10240x128xf32, #tpu.memory_space<hbm>>
          tpu.enqueue_indirect_dma source(%dma_start3A_62 : memref<10240x128xf32, #tpu.memory_space<hbm>>) target(%arg9 : memref<128x128xf32, #tpu.memory_space<vmem>>) offsets(%dma_start3A_59 : memref<128xi32, #tpu.memory_space<vmem>>) semaphore(%arg12 : memref<!tpu.dma_semaphore, #tpu.memory_space<semaphore_mem>>)
        } else {
        }
        %dma_wait3A_49 = arith.constant 0 : i32
        %dma_wait3A_50 = arith.constant 0 : i32
        %dma_wait3A_51 = tpu.memref_slice %arg2[%dma_wait3A_49, %dma_wait3A_50] : memref<10240x128xf32, #tpu.memory_space<hbm>> -> memref<128x128xf32, #tpu.memory_space<hbm>>
        %dma_wait3A_52 = arith.constant 0 : i32
        %dma_wait3A_53 = arith.constant 0 : i32
        %dma_wait3A_54 = tpu.memref_slice %arg2[%dma_wait3A_52, %dma_wait3A_53] : memref<10240x128xf32, #tpu.memory_space<hbm>> -> memref<128x128xf32, #tpu.memory_space<hbm>>
        tpu.wait_dma2 semaphore(%arg13 : memref<!tpu.dma_semaphore, #tpu.memory_space<semaphore_mem>>) src(%dma_wait3A_54 : memref<128x128xf32, #tpu.memory_space<hbm>>) dst(%arg10 : memref<128x128xf32, #tpu.memory_space<vmem>>)
        "tpu.region"() ({
          %run_scoped3A = tpu.sem_alloc : memref<!tpu.dma_semaphore, #tpu.memory_space<semaphore_mem>>
          %dma_start3A_55 = arith.constant 0 : i32
          %dma_start3A_56 = tpu.memref_slice %arg8[%add3A_35, %dma_start3A_55] : memref<40x128xi32, #tpu.memory_space<vmem>> -> memref<1x128xi32, #tpu.memory_space<vmem>>
          %dma_start3A_57 = tpu.memref_squeeze %dma_start3A_56 : memref<1x128xi32, #tpu.memory_space<vmem>> -> memref<128xi32, #tpu.memory_space<vmem>>
          %dma_start3A_58 = arith.constant 0 : i32
          %dma_start3A_59 = arith.constant 0 : i32
          %dma_start3A_60 = tpu.memref_slice %arg11[%dma_start3A_58, %dma_start3A_59] : memref<10240x128xf32, #tpu.memory_space<vmem_shared>> -> memref<10240x128xf32, #tpu.memory_space<vmem_shared>>
          tpu.enqueue_indirect_dma source(%arg10 : memref<128x128xf32, #tpu.memory_space<vmem>>) target(%dma_start3A_60 : memref<10240x128xf32, #tpu.memory_space<vmem_shared>>) offsets(%dma_start3A_57 : memref<128xi32, #tpu.memory_space<vmem>>) semaphore(%run_scoped3A : memref<!tpu.dma_semaphore, #tpu.memory_space<semaphore_mem>>) {add = true}
          %dma_wait3A_61 = arith.constant 0 : i32
          %dma_wait3A_62 = tpu.memref_slice %arg8[%add3A_35, %dma_wait3A_61] : memref<40x128xi32, #tpu.memory_space<vmem>> -> memref<1x128xi32, #tpu.memory_space<vmem>>
          %dma_wait3A_63 = tpu.memref_squeeze %dma_wait3A_62 : memref<1x128xi32, #tpu.memory_space<vmem>> -> memref<128xi32, #tpu.memory_space<vmem>>
          %dma_wait3A_64 = arith.constant 0 : i32
          %dma_wait3A_65 = arith.constant 0 : i32
          %dma_wait3A_66 = tpu.memref_slice %arg11[%dma_wait3A_64, %dma_wait3A_65] : memref<10240x128xf32, #tpu.memory_space<vmem_shared>> -> memref<10240x128xf32, #tpu.memory_space<vmem_shared>>
          tpu.wait_indirect_dma semaphore(%run_scoped3A : memref<!tpu.dma_semaphore, #tpu.memory_space<semaphore_mem>>) src(%arg10 : memref<128x128xf32, #tpu.memory_space<vmem>>) dst(%dma_wait3A_66 : memref<10240x128xf32, #tpu.memory_space<vmem_shared>>)
          tpu.yield
        }) : () -> ()
      }
      %scan3A_30 = arith.constant 20 : i32
    }
    %scan3A_9 = arith.constant 2 : i32
    %barrier3A_10 = arith.constant 0 : index
    tpu.barrier barrier_id(%barrier3A_10)
    %mul3A_11 = arith.constant 640 : i32
    %mul3A_12 = arith.muli %arg1, %mul3A_11 : i32
    %mul3A_13 = arith.constant 640 : i32
    %mul3A_14 = arith.muli %arg1, %mul3A_13 : i32
    "tpu.region"() ({
      %run_scoped3A = tpu.sem_alloc : memref<!tpu.dma_semaphore, #tpu.memory_space<semaphore_mem>>
      %dma_start3A = arith.constant 0 : i32
      %dma_start3A_15 = tpu.memref_slice %arg6[%arg0, %mul3A_14, %dma_start3A] : memref<2x10240x128xf32, #tpu.memory_space<hbm>> -> memref<1x640x128xf32, #tpu.memory_space<hbm>>
      %dma_start3A_16 = tpu.memref_squeeze %dma_start3A_15 : memref<1x640x128xf32, #tpu.memory_space<hbm>> -> memref<640x128xf32, #tpu.memory_space<hbm>>
      %dma_start3A_17 = arith.constant 0 : i32
      %dma_start3A_18 = tpu.memref_slice %arg11[%mul3A_12, %dma_start3A_17] : memref<10240x128xf32, #tpu.memory_space<vmem_shared>> -> memref<640x128xf32, #tpu.memory_space<vmem_shared>>
      tpu.enqueue_dma source(%dma_start3A_18 : memref<640x128xf32, #tpu.memory_space<vmem_shared>>) target(%dma_start3A_16 : memref<640x128xf32, #tpu.memory_space<hbm>>) target_semaphore(%run_scoped3A : memref<!tpu.dma_semaphore, #tpu.memory_space<semaphore_mem>>)
      %dma_wait3A = arith.constant 0 : i32
      %dma_wait3A_19 = tpu.memref_slice %arg6[%arg0, %mul3A_14, %dma_wait3A] : memref<2x10240x128xf32, #tpu.memory_space<hbm>> -> memref<1x640x128xf32, #tpu.memory_space<hbm>>
      %dma_wait3A_20 = tpu.memref_squeeze %dma_wait3A_19 : memref<1x640x128xf32, #tpu.memory_space<hbm>> -> memref<640x128xf32, #tpu.memory_space<hbm>>
      %dma_wait3A_21 = arith.constant 0 : i32
      %dma_wait3A_22 = tpu.memref_slice %arg11[%mul3A_12, %dma_wait3A_21] : memref<10240x128xf32, #tpu.memory_space<vmem_shared>> -> memref<640x128xf32, #tpu.memory_space<vmem_shared>>
      tpu.wait_dma2 semaphore(%run_scoped3A : memref<!tpu.dma_semaphore, #tpu.memory_space<semaphore_mem>>) src(%dma_wait3A_22 : memref<640x128xf32, #tpu.memory_space<vmem_shared>>) dst(%dma_wait3A_20 : memref<640x128xf32, #tpu.memory_space<hbm>>)
      tpu.yield
    }) : () -> ()
    return
  }
}

#map = affine_map<(d0, d1) -> (0, 0, 0)>
#map1 = affine_map<(d0, d1) -> (0)>
#map2 = affine_map<(d0, d1) -> (0, 0)>
module attributes {stable_mosaic.version = 14 : i64} {
  func.func @_deg_body(%arg0: i32, %arg1: i32, %arg2: memref<32x80x128xi32, #tpu.memory_space<hbm>>, %arg3: memref<32x80x128xi32, #tpu.memory_space<hbm>>, %arg4: memref<10240xf32, #tpu.memory_space<hbm>>, %arg5: memref<128xf32, #tpu.memory_space<hbm>>, %arg6: memref<2x10240xf32, #tpu.memory_space<hbm>>, %arg7: memref<2x10240xf32, #tpu.memory_space<hbm>>, %arg8: memref<80x128xi32, #tpu.memory_space<vmem>>, %arg9: memref<80x128xi32, #tpu.memory_space<vmem>>, %arg10: memref<128xf32, #tpu.memory_space<vmem>>, %arg11: memref<10240xf32, #tpu.memory_space<vmem_shared>>, %arg12: memref<10240xf32, #tpu.memory_space<vmem_shared>>, %arg13: memref<!tpu.dma_semaphore, #tpu.memory_space<semaphore_mem>>, %arg14: memref<!tpu.dma_semaphore, #tpu.memory_space<semaphore_mem>>) attributes {dimension_semantics = [#tpu.dimension_semantics<core_parallel>, #tpu.dimension_semantics<subcore_parallel>], iteration_bounds = array<i64: 2, 16>, scalar_prefetch = 0 : i64, scratch_operands = 7 : i64, tpu.core_type = #tpu.core_type<sc_vector_subcore>, window_params = [{transform_indices = #map}, {transform_indices = #map}, {transform_indices = #map1}, {transform_indices = #map1}, {transform_indices = #map2}, {transform_indices = #map2}]} {
    %mul3A = arith.constant 2 : i32
    %mul3A_0 = arith.muli %arg1, %mul3A : i32
    %add3A = arith.addi %mul3A_0, %arg0 : i32
    "tpu.region"() ({
      %run_scoped3A = tpu.sem_alloc : memref<!tpu.dma_semaphore, #tpu.memory_space<semaphore_mem>>
      %dma_start3A = arith.constant 0 : i32
      %dma_start3A_14 = arith.constant 0 : i32
      %dma_start3A_15 = tpu.memref_slice %arg2[%add3A, %dma_start3A, %dma_start3A_14] : memref<32x80x128xi32, #tpu.memory_space<hbm>> -> memref<1x80x128xi32, #tpu.memory_space<hbm>>
      %dma_start3A_16 = tpu.memref_squeeze %dma_start3A_15 : memref<1x80x128xi32, #tpu.memory_space<hbm>> -> memref<80x128xi32, #tpu.memory_space<hbm>>
      %dma_start3A_17 = arith.constant 0 : i32
      %dma_start3A_18 = arith.constant 0 : i32
      %dma_start3A_19 = tpu.memref_slice %arg2[%add3A, %dma_start3A_17, %dma_start3A_18] : memref<32x80x128xi32, #tpu.memory_space<hbm>> -> memref<1x80x128xi32, #tpu.memory_space<hbm>>
      %dma_start3A_20 = tpu.memref_squeeze %dma_start3A_19 : memref<1x80x128xi32, #tpu.memory_space<hbm>> -> memref<80x128xi32, #tpu.memory_space<hbm>>
      tpu.enqueue_dma source(%dma_start3A_20 : memref<80x128xi32, #tpu.memory_space<hbm>>) target(%arg8 : memref<80x128xi32, #tpu.memory_space<vmem>>) target_semaphore(%run_scoped3A : memref<!tpu.dma_semaphore, #tpu.memory_space<semaphore_mem>>)
      %dma_wait3A = arith.constant 0 : i32
      %dma_wait3A_21 = arith.constant 0 : i32
      %dma_wait3A_22 = tpu.memref_slice %arg2[%add3A, %dma_wait3A, %dma_wait3A_21] : memref<32x80x128xi32, #tpu.memory_space<hbm>> -> memref<1x80x128xi32, #tpu.memory_space<hbm>>
      %dma_wait3A_23 = tpu.memref_squeeze %dma_wait3A_22 : memref<1x80x128xi32, #tpu.memory_space<hbm>> -> memref<80x128xi32, #tpu.memory_space<hbm>>
      %dma_wait3A_24 = arith.constant 0 : i32
      %dma_wait3A_25 = arith.constant 0 : i32
      %dma_wait3A_26 = tpu.memref_slice %arg2[%add3A, %dma_wait3A_24, %dma_wait3A_25] : memref<32x80x128xi32, #tpu.memory_space<hbm>> -> memref<1x80x128xi32, #tpu.memory_space<hbm>>
      %dma_wait3A_27 = tpu.memref_squeeze %dma_wait3A_26 : memref<1x80x128xi32, #tpu.memory_space<hbm>> -> memref<80x128xi32, #tpu.memory_space<hbm>>
      tpu.wait_dma2 semaphore(%run_scoped3A : memref<!tpu.dma_semaphore, #tpu.memory_space<semaphore_mem>>) src(%dma_wait3A_27 : memref<80x128xi32, #tpu.memory_space<hbm>>) dst(%arg8 : memref<80x128xi32, #tpu.memory_space<vmem>>)
      tpu.yield
    }) : () -> ()
    "tpu.region"() ({
      %run_scoped3A = tpu.sem_alloc : memref<!tpu.dma_semaphore, #tpu.memory_space<semaphore_mem>>
      %dma_start3A = arith.constant 0 : i32
      %dma_start3A_14 = arith.constant 0 : i32
      %dma_start3A_15 = tpu.memref_slice %arg3[%add3A, %dma_start3A, %dma_start3A_14] : memref<32x80x128xi32, #tpu.memory_space<hbm>> -> memref<1x80x128xi32, #tpu.memory_space<hbm>>
      %dma_start3A_16 = tpu.memref_squeeze %dma_start3A_15 : memref<1x80x128xi32, #tpu.memory_space<hbm>> -> memref<80x128xi32, #tpu.memory_space<hbm>>
      %dma_start3A_17 = arith.constant 0 : i32
      %dma_start3A_18 = arith.constant 0 : i32
      %dma_start3A_19 = tpu.memref_slice %arg3[%add3A, %dma_start3A_17, %dma_start3A_18] : memref<32x80x128xi32, #tpu.memory_space<hbm>> -> memref<1x80x128xi32, #tpu.memory_space<hbm>>
      %dma_start3A_20 = tpu.memref_squeeze %dma_start3A_19 : memref<1x80x128xi32, #tpu.memory_space<hbm>> -> memref<80x128xi32, #tpu.memory_space<hbm>>
      tpu.enqueue_dma source(%dma_start3A_20 : memref<80x128xi32, #tpu.memory_space<hbm>>) target(%arg9 : memref<80x128xi32, #tpu.memory_space<vmem>>) target_semaphore(%run_scoped3A : memref<!tpu.dma_semaphore, #tpu.memory_space<semaphore_mem>>)
      %dma_wait3A = arith.constant 0 : i32
      %dma_wait3A_21 = arith.constant 0 : i32
      %dma_wait3A_22 = tpu.memref_slice %arg3[%add3A, %dma_wait3A, %dma_wait3A_21] : memref<32x80x128xi32, #tpu.memory_space<hbm>> -> memref<1x80x128xi32, #tpu.memory_space<hbm>>
      %dma_wait3A_23 = tpu.memref_squeeze %dma_wait3A_22 : memref<1x80x128xi32, #tpu.memory_space<hbm>> -> memref<80x128xi32, #tpu.memory_space<hbm>>
      %dma_wait3A_24 = arith.constant 0 : i32
      %dma_wait3A_25 = arith.constant 0 : i32
      %dma_wait3A_26 = tpu.memref_slice %arg3[%add3A, %dma_wait3A_24, %dma_wait3A_25] : memref<32x80x128xi32, #tpu.memory_space<hbm>> -> memref<1x80x128xi32, #tpu.memory_space<hbm>>
      %dma_wait3A_27 = tpu.memref_squeeze %dma_wait3A_26 : memref<1x80x128xi32, #tpu.memory_space<hbm>> -> memref<80x128xi32, #tpu.memory_space<hbm>>
      tpu.wait_dma2 semaphore(%run_scoped3A : memref<!tpu.dma_semaphore, #tpu.memory_space<semaphore_mem>>) src(%dma_wait3A_27 : memref<80x128xi32, #tpu.memory_space<hbm>>) dst(%arg9 : memref<80x128xi32, #tpu.memory_space<vmem>>)
      tpu.yield
    }) : () -> ()
    "tpu.region"() ({
      %run_scoped3A = tpu.sem_alloc : memref<!tpu.dma_semaphore, #tpu.memory_space<semaphore_mem>>
      tpu.enqueue_dma source(%arg5 : memref<128xf32, #tpu.memory_space<hbm>>) target(%arg10 : memref<128xf32, #tpu.memory_space<vmem>>) target_semaphore(%run_scoped3A : memref<!tpu.dma_semaphore, #tpu.memory_space<semaphore_mem>>)
      tpu.wait_dma2 semaphore(%run_scoped3A : memref<!tpu.dma_semaphore, #tpu.memory_space<semaphore_mem>>) src(%arg5 : memref<128xf32, #tpu.memory_space<hbm>>) dst(%arg10 : memref<128xf32, #tpu.memory_space<vmem>>)
      tpu.yield
    }) : () -> ()
    %eq3A = arith.constant 0 : i32
    %eq3A_1 = arith.cmpi eq, %arg1, %eq3A : i32
    %convert_element_type3A = arith.extui %eq3A_1 : i1 to i32
    %cond3A = arith.constant 0 : i32
    %cond3A_2 = arith.cmpi ne, %convert_element_type3A, %cond3A : i32
    scf.if %cond3A_2 {
      "tpu.region"() ({
        %run_scoped3A = tpu.sem_alloc : memref<!tpu.dma_semaphore, #tpu.memory_space<semaphore_mem>>
        tpu.enqueue_dma source(%arg4 : memref<10240xf32, #tpu.memory_space<hbm>>) target(%arg11 : memref<10240xf32, #tpu.memory_space<vmem_shared>>) target_semaphore(%run_scoped3A : memref<!tpu.dma_semaphore, #tpu.memory_space<semaphore_mem>>)
        tpu.wait_dma2 semaphore(%run_scoped3A : memref<!tpu.dma_semaphore, #tpu.memory_space<semaphore_mem>>) src(%arg4 : memref<10240xf32, #tpu.memory_space<hbm>>) dst(%arg11 : memref<10240xf32, #tpu.memory_space<vmem_shared>>)
        tpu.yield
      }) : () -> ()
      "tpu.region"() ({
        %run_scoped3A = tpu.sem_alloc : memref<!tpu.dma_semaphore, #tpu.memory_space<semaphore_mem>>
        tpu.enqueue_dma source(%arg4 : memref<10240xf32, #tpu.memory_space<hbm>>) target(%arg12 : memref<10240xf32, #tpu.memory_space<vmem_shared>>) target_semaphore(%run_scoped3A : memref<!tpu.dma_semaphore, #tpu.memory_space<semaphore_mem>>)
        tpu.wait_dma2 semaphore(%run_scoped3A : memref<!tpu.dma_semaphore, #tpu.memory_space<semaphore_mem>>) src(%arg4 : memref<10240xf32, #tpu.memory_space<hbm>>) dst(%arg12 : memref<10240xf32, #tpu.memory_space<vmem_shared>>)
        tpu.yield
      }) : () -> ()
    } else {
    }
    %barrier3A = arith.constant 0 : index
    tpu.barrier barrier_id(%barrier3A)
    %scan3A = arith.constant 0 : i32
    %scan3A_3 = arith.constant 0 : i32
    %scan3A_4 = arith.constant 5 : i32
    %scan3A_5 = arith.addi %scan3A_3, %scan3A_4 : i32
    %scan3A_6 = arith.constant 1 : i32
    scf.for %scan3A_14 = %scan3A_3 to %scan3A_5 step %scan3A_6  : i32 {
      %scan3A_15 = arith.constant 0 : i32
      %scan3A_16 = arith.constant 0 : i32
      %scan3A_17 = arith.constant 16 : i32
      %scan3A_18 = arith.addi %scan3A_16, %scan3A_17 : i32
      %scan3A_19 = arith.constant 1 : i32
      scf.for %scan3A_27 = %scan3A_16 to %scan3A_18 step %scan3A_19  : i32 {
        %mul3A_28 = arith.constant 16 : i32
        %mul3A_29 = arith.muli %scan3A_14, %mul3A_28 : i32
        %add3A_30 = arith.addi %mul3A_29, %scan3A_27 : i32
        %dma_start3A = arith.constant 0 : i32
        %dma_start3A_31 = tpu.memref_slice %arg8[%add3A_30, %dma_start3A] : memref<80x128xi32, #tpu.memory_space<vmem>> -> memref<1x128xi32, #tpu.memory_space<vmem>>
        %dma_start3A_32 = tpu.memref_squeeze %dma_start3A_31 : memref<1x128xi32, #tpu.memory_space<vmem>> -> memref<128xi32, #tpu.memory_space<vmem>>
        %dma_start3A_33 = arith.constant 0 : i32
        %dma_start3A_34 = tpu.memref_slice %arg11[%dma_start3A_33] : memref<10240xf32, #tpu.memory_space<vmem_shared>> -> memref<10240xf32, #tpu.memory_space<vmem_shared>>
        tpu.enqueue_indirect_dma source(%arg10 : memref<128xf32, #tpu.memory_space<vmem>>) target(%dma_start3A_34 : memref<10240xf32, #tpu.memory_space<vmem_shared>>) offsets(%dma_start3A_32 : memref<128xi32, #tpu.memory_space<vmem>>) semaphore(%arg13 : memref<!tpu.dma_semaphore, #tpu.memory_space<semaphore_mem>>) {add = true}
        %mul3A_35 = arith.constant 16 : i32
        %mul3A_36 = arith.muli %scan3A_14, %mul3A_35 : i32
        %add3A_37 = arith.addi %mul3A_36, %scan3A_27 : i32
        %dma_start3A_38 = arith.constant 0 : i32
        %dma_start3A_39 = tpu.memref_slice %arg9[%add3A_37, %dma_start3A_38] : memref<80x128xi32, #tpu.memory_space<vmem>> -> memref<1x128xi32, #tpu.memory_space<vmem>>
        %dma_start3A_40 = tpu.memref_squeeze %dma_start3A_39 : memref<1x128xi32, #tpu.memory_space<vmem>> -> memref<128xi32, #tpu.memory_space<vmem>>
        %dma_start3A_41 = arith.constant 0 : i32
        %dma_start3A_42 = tpu.memref_slice %arg12[%dma_start3A_41] : memref<10240xf32, #tpu.memory_space<vmem_shared>> -> memref<10240xf32, #tpu.memory_space<vmem_shared>>
        tpu.enqueue_indirect_dma source(%arg10 : memref<128xf32, #tpu.memory_space<vmem>>) target(%dma_start3A_42 : memref<10240xf32, #tpu.memory_space<vmem_shared>>) offsets(%dma_start3A_40 : memref<128xi32, #tpu.memory_space<vmem>>) semaphore(%arg14 : memref<!tpu.dma_semaphore, #tpu.memory_space<semaphore_mem>>) {add = true}
      }
      %scan3A_20 = arith.constant 16 : i32
      %scan3A_21 = arith.constant 0 : i32
      %scan3A_22 = arith.constant 0 : i32
      %scan3A_23 = arith.constant 16 : i32
      %scan3A_24 = arith.addi %scan3A_22, %scan3A_23 : i32
      %scan3A_25 = arith.constant 1 : i32
      scf.for %scan3A_27 = %scan3A_22 to %scan3A_24 step %scan3A_25  : i32 {
        %dma_wait3A = arith.constant 0 : i32
        %dma_wait3A_28 = arith.constant 0 : i32
        %dma_wait3A_29 = tpu.memref_slice %arg8[%dma_wait3A, %dma_wait3A_28] : memref<80x128xi32, #tpu.memory_space<vmem>> -> memref<1x128xi32, #tpu.memory_space<vmem>>
        %dma_wait3A_30 = tpu.memref_squeeze %dma_wait3A_29 : memref<1x128xi32, #tpu.memory_space<vmem>> -> memref<128xi32, #tpu.memory_space<vmem>>
        %dma_wait3A_31 = arith.constant 0 : i32
        %dma_wait3A_32 = tpu.memref_slice %arg11[%dma_wait3A_31] : memref<10240xf32, #tpu.memory_space<vmem_shared>> -> memref<10240xf32, #tpu.memory_space<vmem_shared>>
        tpu.wait_indirect_dma semaphore(%arg13 : memref<!tpu.dma_semaphore, #tpu.memory_space<semaphore_mem>>) src(%arg10 : memref<128xf32, #tpu.memory_space<vmem>>) dst(%dma_wait3A_32 : memref<10240xf32, #tpu.memory_space<vmem_shared>>)
        %dma_wait3A_33 = arith.constant 0 : i32
        %dma_wait3A_34 = arith.constant 0 : i32
        %dma_wait3A_35 = tpu.memref_slice %arg9[%dma_wait3A_33, %dma_wait3A_34] : memref<80x128xi32, #tpu.memory_space<vmem>> -> memref<1x128xi32, #tpu.memory_space<vmem>>
        %dma_wait3A_36 = tpu.memref_squeeze %dma_wait3A_35 : memref<1x128xi32, #tpu.memory_space<vmem>> -> memref<128xi32, #tpu.memory_space<vmem>>
        %dma_wait3A_37 = arith.constant 0 : i32
        %dma_wait3A_38 = tpu.memref_slice %arg12[%dma_wait3A_37] : memref<10240xf32, #tpu.memory_space<vmem_shared>> -> memref<10240xf32, #tpu.memory_space<vmem_shared>>
        tpu.wait_indirect_dma semaphore(%arg14 : memref<!tpu.dma_semaphore, #tpu.memory_space<semaphore_mem>>) src(%arg10 : memref<128xf32, #tpu.memory_space<vmem>>) dst(%dma_wait3A_38 : memref<10240xf32, #tpu.memory_space<vmem_shared>>)
      }
      %scan3A_26 = arith.constant 16 : i32
    }
    %scan3A_7 = arith.constant 5 : i32
    %barrier3A_8 = arith.constant 0 : index
    tpu.barrier barrier_id(%barrier3A_8)
    %eq3A_9 = arith.constant 0 : i32
    %eq3A_10 = arith.cmpi eq, %arg1, %eq3A_9 : i32
    %convert_element_type3A_11 = arith.extui %eq3A_10 : i1 to i32
    %cond3A_12 = arith.constant 0 : i32
    %cond3A_13 = arith.cmpi ne, %convert_element_type3A_11, %cond3A_12 : i32
    scf.if %cond3A_13 {
      "tpu.region"() ({
        %run_scoped3A = tpu.sem_alloc : memref<!tpu.dma_semaphore, #tpu.memory_space<semaphore_mem>>
        %dma_start3A = arith.constant 0 : i32
        %dma_start3A_14 = tpu.memref_slice %arg6[%arg0, %dma_start3A] : memref<2x10240xf32, #tpu.memory_space<hbm>> -> memref<1x10240xf32, #tpu.memory_space<hbm>>
        %dma_start3A_15 = tpu.memref_squeeze %dma_start3A_14 : memref<1x10240xf32, #tpu.memory_space<hbm>> -> memref<10240xf32, #tpu.memory_space<hbm>>
        tpu.enqueue_dma source(%arg11 : memref<10240xf32, #tpu.memory_space<vmem_shared>>) target(%dma_start3A_15 : memref<10240xf32, #tpu.memory_space<hbm>>) target_semaphore(%run_scoped3A : memref<!tpu.dma_semaphore, #tpu.memory_space<semaphore_mem>>)
        %dma_wait3A = arith.constant 0 : i32
        %dma_wait3A_16 = tpu.memref_slice %arg6[%arg0, %dma_wait3A] : memref<2x10240xf32, #tpu.memory_space<hbm>> -> memref<1x10240xf32, #tpu.memory_space<hbm>>
        %dma_wait3A_17 = tpu.memref_squeeze %dma_wait3A_16 : memref<1x10240xf32, #tpu.memory_space<hbm>> -> memref<10240xf32, #tpu.memory_space<hbm>>
        tpu.wait_dma2 semaphore(%run_scoped3A : memref<!tpu.dma_semaphore, #tpu.memory_space<semaphore_mem>>) src(%arg11 : memref<10240xf32, #tpu.memory_space<vmem_shared>>) dst(%dma_wait3A_17 : memref<10240xf32, #tpu.memory_space<hbm>>)
        tpu.yield
      }) : () -> ()
      "tpu.region"() ({
        %run_scoped3A = tpu.sem_alloc : memref<!tpu.dma_semaphore, #tpu.memory_space<semaphore_mem>>
        %dma_start3A = arith.constant 0 : i32
        %dma_start3A_14 = tpu.memref_slice %arg7[%arg0, %dma_start3A] : memref<2x10240xf32, #tpu.memory_space<hbm>> -> memref<1x10240xf32, #tpu.memory_space<hbm>>
        %dma_start3A_15 = tpu.memref_squeeze %dma_start3A_14 : memref<1x10240xf32, #tpu.memory_space<hbm>> -> memref<10240xf32, #tpu.memory_space<hbm>>
        tpu.enqueue_dma source(%arg12 : memref<10240xf32, #tpu.memory_space<vmem_shared>>) target(%dma_start3A_15 : memref<10240xf32, #tpu.memory_space<hbm>>) target_semaphore(%run_scoped3A : memref<!tpu.dma_semaphore, #tpu.memory_space<semaphore_mem>>)
        %dma_wait3A = arith.constant 0 : i32
        %dma_wait3A_16 = tpu.memref_slice %arg7[%arg0, %dma_wait3A] : memref<2x10240xf32, #tpu.memory_space<hbm>> -> memref<1x10240xf32, #tpu.memory_space<hbm>>
        %dma_wait3A_17 = tpu.memref_squeeze %dma_wait3A_16 : memref<1x10240xf32, #tpu.memory_space<hbm>> -> memref<10240xf32, #tpu.memory_space<hbm>>
        tpu.wait_dma2 semaphore(%run_scoped3A : memref<!tpu.dma_semaphore, #tpu.memory_space<semaphore_mem>>) src(%arg12 : memref<10240xf32, #tpu.memory_space<vmem_shared>>) dst(%dma_wait3A_17 : memref<10240xf32, #tpu.memory_space<hbm>>)
        tpu.yield
      }) : () -> ()
    } else {
    }
    return
  }
}

module attributes {stable_mosaic.version = 14 : i64} {
  func.func @_prep_body(%arg0: memref<10240x128xf32, #tpu.memory_space<vmem>>, %arg1: memref<2x10240xf32, #tpu.memory_space<vmem>>, %arg2: memref<2x10240xf32, #tpu.memory_space<vmem>>, %arg3: memref<10240x128xf32, #tpu.memory_space<vmem>>, %arg4: memref<10240x1xf32, #tpu.memory_space<vmem>>) attributes {dimension_semantics = [], scalar_prefetch = 0 : i64, scratch_operands = 0 : i64, tpu.core_type = #tpu.core_type<tc>} {
    %get3A = arith.constant 0 : index
    %get3A_0 = arith.constant 0 : index
    %get3A_1 = vector.load %arg1[%get3A, %get3A_0] : memref<2x10240xf32, #tpu.memory_space<vmem>>, vector<2x10240xf32>
    %reduce_sum3A = arith.constant dense<0.000000e+00> : vector<10240xf32>
    %reduce_sum3A_2 = vector.multi_reduction <add>, %get3A_1, %reduce_sum3A [0] : vector<2x10240xf32> to vector<10240xf32>
    %get3A_3 = arith.constant 0 : index
    %get3A_4 = arith.constant 0 : index
    %get3A_5 = vector.load %arg2[%get3A_3, %get3A_4] : memref<2x10240xf32, #tpu.memory_space<vmem>>, vector<2x10240xf32>
    %reduce_sum3A_6 = arith.constant dense<0.000000e+00> : vector<10240xf32>
    %reduce_sum3A_7 = vector.multi_reduction <add>, %get3A_5, %reduce_sum3A_6 [0] : vector<2x10240xf32> to vector<10240xf32>
    %max3A = arith.constant 1.000000e+00 : f32
    %max3A_8 = vector.broadcast %max3A : f32 to vector<10240xf32>
    %max3A_9 = arith.maximumf %reduce_sum3A_2, %max3A_8 : vector<10240xf32>
    %rsqrt3A = math.rsqrt %max3A_9 : vector<10240xf32>
    %get3A_10 = arith.constant 0 : index
    %get3A_11 = arith.constant 0 : index
    %get3A_12 = vector.load %arg0[%get3A_10, %get3A_11] : memref<10240x128xf32, #tpu.memory_space<vmem>>, vector<10240x128xf32>
    %broadcast_in_dim3A = vector.shape_cast %rsqrt3A : vector<10240xf32> to vector<10240x1xf32>
    %mul3A = vector.broadcast %broadcast_in_dim3A : vector<10240x1xf32> to vector<10240x128xf32>
    %mul3A_13 = arith.mulf %get3A_12, %mul3A : vector<10240x128xf32>
    %swap3A = arith.constant 0 : index
    %swap3A_14 = arith.constant 0 : index
    %swap3A_15 = vector.load %arg3[%swap3A, %swap3A_14] : memref<10240x128xf32, #tpu.memory_space<vmem>>, vector<10240x128xf32>
    tpu.vector_store %arg3[%swap3A, %swap3A_14], %mul3A_13 {strides = array<i32>} : memref<10240x128xf32, #tpu.memory_space<vmem>>, vector<10240x128xf32>,
    %max3A_16 = arith.constant 1.000000e+00 : f32
    %max3A_17 = vector.broadcast %max3A_16 : f32 to vector<10240xf32>
    %max3A_18 = arith.maximumf %reduce_sum3A_7, %max3A_17 : vector<10240xf32>
    %rsqrt3A_19 = math.rsqrt %max3A_18 : vector<10240xf32>
    %reshape3A = vector.shape_cast %rsqrt3A_19 : vector<10240xf32> to vector<10240x1xf32>
    %swap3A_20 = arith.constant 0 : index
    %swap3A_21 = arith.constant 0 : index
    %swap3A_22 = vector.load %arg4[%swap3A_20, %swap3A_21] : memref<10240x1xf32, #tpu.memory_space<vmem>>, vector<10240x1xf32>
    tpu.vector_store %arg4[%swap3A_20, %swap3A_21], %reshape3A {strides = array<i32>} : memref<10240x1xf32, #tpu.memory_space<vmem>>, vector<10240x1xf32>,
    return
  }
}

module attributes {stable_mosaic.version = 14 : i64} {
  func.func @_head_body(%arg0: memref<2x10240x128xf32, #tpu.memory_space<vmem>>, %arg1: memref<10240x1xf32, #tpu.memory_space<vmem>>, %arg2: memref<128x128xf32, #tpu.memory_space<vmem>>, %arg3: memref<1x128xf32, #tpu.memory_space<vmem>>, %arg4: memref<128x1xf32, #tpu.memory_space<vmem>>, %arg5: memref<1x1xf32, #tpu.memory_space<vmem>>, %arg6: memref<128x1xf32, #tpu.memory_space<vmem>>, %arg7: memref<1x1xf32, #tpu.memory_space<vmem>>, %arg8: memref<10000x128xf32, #tpu.memory_space<vmem>>, %arg9: memref<10000x1xf32, #tpu.memory_space<vmem>>, %arg10: memref<10000x1xf32, #tpu.memory_space<vmem>>) attributes {dimension_semantics = [], scalar_prefetch = 0 : i64, scratch_operands = 0 : i64, tpu.core_type = #tpu.core_type<tc>} {
    %get3A = arith.constant 0 : index
    %get3A_0 = arith.constant 0 : index
    %get3A_1 = arith.constant 0 : index
    %get3A_2 = vector.load %arg0[%get3A, %get3A_0, %get3A_1] : memref<2x10240x128xf32, #tpu.memory_space<vmem>>, vector<1x10000x128xf32>
    %get3A_3 = vector.shape_cast %get3A_2 : vector<1x10000x128xf32> to vector<10000x128xf32>
    %get3A_4 = arith.constant 1 : index
    %get3A_5 = arith.constant 0 : index
    %get3A_6 = arith.constant 0 : index
    %get3A_7 = vector.load %arg0[%get3A_4, %get3A_5, %get3A_6] : memref<2x10240x128xf32, #tpu.memory_space<vmem>>, vector<1x10000x128xf32>
    %get3A_8 = vector.shape_cast %get3A_7 : vector<1x10000x128xf32> to vector<10000x128xf32>
    %add3A = arith.addf %get3A_3, %get3A_8 : vector<10000x128xf32>
    %get3A_9 = arith.constant 0 : index
    %get3A_10 = arith.constant 0 : index
    %get3A_11 = vector.load %arg1[%get3A_9, %get3A_10] : memref<10240x1xf32, #tpu.memory_space<vmem>>, vector<10240x1xf32>
    %slice3A = vector.extract_strided_slice %get3A_11 {offsets = [0, 0], sizes = [10000, 1], strides = [1, 1]} : vector<10240x1xf32> to vector<10000x1xf32>
    %mul3A = vector.broadcast %slice3A : vector<10000x1xf32> to vector<10000x128xf32>
    %mul3A_12 = arith.mulf %add3A, %mul3A : vector<10000x128xf32>
    %get3A_13 = arith.constant 0 : index
    %get3A_14 = arith.constant 0 : index
    %get3A_15 = vector.load %arg2[%get3A_13, %get3A_14] : memref<128x128xf32, #tpu.memory_space<vmem>>, vector<128x128xf32>
    %dot_general3A = arith.constant dense<0.000000e+00> : vector<10000x128xf32>
    %dot_general3A_16 = tpu.matmul %mul3A_12, %get3A_15, %dot_general3A {dimension_numbers = #tpu.dot_dimension_numbers<[1], [0], [0], [1], [0, 0, 1, 1], [], []>, transpose_lhs_hint = false} : vector<10000x128xf32>, vector<128x128xf32>, vector<10000x128xf32> -> vector<10000x128xf32>
    %get3A_17 = arith.constant 0 : index
    %get3A_18 = arith.constant 0 : index
    %get3A_19 = vector.load %arg3[%get3A_17, %get3A_18] : memref<1x128xf32, #tpu.memory_space<vmem>>, vector<1x128xf32>
    %add3A_20 = vector.broadcast %get3A_19 : vector<1x128xf32> to vector<10000x128xf32>
    %add3A_21 = arith.addf %dot_general3A_16, %add3A_20 : vector<10000x128xf32>
    %max3A = arith.constant 0.000000e+00 : f32
    %max3A_22 = vector.broadcast %max3A : f32 to vector<10000x128xf32>
    %max3A_23 = arith.maximumf %add3A_21, %max3A_22 : vector<10000x128xf32>
    %swap3A = arith.constant 0 : index
    %swap3A_24 = arith.constant 0 : index
    %swap3A_25 = vector.load %arg8[%swap3A, %swap3A_24] : memref<10000x128xf32, #tpu.memory_space<vmem>>, vector<10000x128xf32>
    tpu.vector_store %arg8[%swap3A, %swap3A_24], %max3A_23 {strides = array<i32>} : memref<10000x128xf32, #tpu.memory_space<vmem>>, vector<10000x128xf32>,
    %get3A_26 = arith.constant 0 : index
    %get3A_27 = arith.constant 0 : index
    %get3A_28 = vector.load %arg4[%get3A_26, %get3A_27] : memref<128x1xf32, #tpu.memory_space<vmem>>, vector<128x1xf32>
    %dot_general3A_29 = arith.constant dense<0.000000e+00> : vector<10000x1xf32>
    %dot_general3A_30 = tpu.matmul %max3A_23, %get3A_28, %dot_general3A_29 {dimension_numbers = #tpu.dot_dimension_numbers<[1], [0], [0], [1], [0, 0, 1, 1], [], []>, transpose_lhs_hint = false} : vector<10000x128xf32>, vector<128x1xf32>, vector<10000x1xf32> -> vector<10000x1xf32>
    %get3A_31 = arith.constant 0 : index
    %get3A_32 = arith.constant 0 : index
    %get3A_33 = vector.load %arg5[%get3A_31, %get3A_32] : memref<1x1xf32, #tpu.memory_space<vmem>>, vector<1x1xf32>
    %add3A_34 = vector.broadcast %get3A_33 : vector<1x1xf32> to vector<10000x1xf32>
    %add3A_35 = arith.addf %dot_general3A_30, %add3A_34 : vector<10000x1xf32>
    %swap3A_36 = arith.constant 0 : index
    %swap3A_37 = arith.constant 0 : index
    %swap3A_38 = vector.load %arg9[%swap3A_36, %swap3A_37] : memref<10000x1xf32, #tpu.memory_space<vmem>>, vector<10000x1xf32>
    tpu.vector_store %arg9[%swap3A_36, %swap3A_37], %add3A_35 {strides = array<i32>} : memref<10000x1xf32, #tpu.memory_space<vmem>>, vector<10000x1xf32>,
    %get3A_39 = arith.constant 0 : index
    %get3A_40 = arith.constant 0 : index
    %get3A_41 = vector.load %arg6[%get3A_39, %get3A_40] : memref<128x1xf32, #tpu.memory_space<vmem>>, vector<128x1xf32>
    %dot_general3A_42 = arith.constant dense<0.000000e+00> : vector<10000x1xf32>
    %dot_general3A_43 = tpu.matmul %max3A_23, %get3A_41, %dot_general3A_42 {dimension_numbers = #tpu.dot_dimension_numbers<[1], [0], [0], [1], [0, 0, 1, 1], [], []>, transpose_lhs_hint = false} : vector<10000x128xf32>, vector<128x1xf32>, vector<10000x1xf32> -> vector<10000x1xf32>
    %get3A_44 = arith.constant 0 : index
    %get3A_45 = arith.constant 0 : index
    %get3A_46 = vector.load %arg7[%get3A_44, %get3A_45] : memref<1x1xf32, #tpu.memory_space<vmem>>, vector<1x1xf32>
    %add3A_47 = vector.broadcast %get3A_46 : vector<1x1xf32> to vector<10000x1xf32>
    %add3A_48 = arith.addf %dot_general3A_43, %add3A_47 : vector<10000x1xf32>
    %swap3A_49 = arith.constant 0 : index
    %swap3A_50 = arith.constant 0 : index
    %swap3A_51 = vector.load %arg10[%swap3A_49, %swap3A_50] : memref<10000x1xf32, #tpu.memory_space<vmem>>, vector<10000x1xf32>
    tpu.vector_store %arg10[%swap3A_49, %swap3A_50], %add3A_48 {strides = array<i32>} : memref<10000x1xf32, #tpu.memory_space<vmem>>, vector<10000x1xf32>,
    return
  }
}

</mosaic_0001>

<sc_bundles>
// kernel: kernel.6.cloned.1.call-start
scs
__scs_entry_jumppad:
0x0: {  	(pc) =	sbr.rel $0x88, $3  }
0x1: {  	(tag) =	ssettag $0x0;
	lr =	simm.s32 $0x1  }
0x2: {  	[smem:$0x3F99] =	sst lr;
	_ =	strace $0xD0000000  }
0x3: {  	_ = 	snop  }
0x4: {  	_ = 	snop  }
0x5: {  	_ = 	snop  }
0x6: {  	_ = 	snop  }
0x7: {  	_ = 	snop  }
__scs_overlays_trampoline_lowered:
0x8: {  	[smem:$0x3FA8] =	sst s0  }
0x9: {  	[smem:$0x3FA9] =	sst s1  }
0xa: {  	[smem:$0x3FAA] =	sst s2  }
0xb: {  	[smem:$0x3FAB] =	sst s3  }
0xc: {  	[smem:$0x3FAC] =	sst s4  }
0xd: {  	[smem:$0x3FAD] =	sst s5  }
0xe: {  	[smem:$0x3FAE] =	sst s6  }
0xf: {  	[smem:$0x3FAF] =	sst s7  }
0x10: {  	[smem:$0x3FB0] =	sst s8  }
0x11: {  	[smem:$0x3FB1] =	sst s9;
	s0 =	simm.s32 @!p0 $0x0  }
0x12: {  	s1 =	sld [smem:$0x3F97];
	s0 =	simm.s32 @p0 $0x1  }
0x13: {  	[smem:$0x3FB2] =	sst s0;
	s0 =	simm.s32 @!p1 $0x0  }
0x14: {  	s2 =	sld [smem:$0x3F96];
	s0 =	simm.s32 @p1 $0x1  }
0x15: {  	[smem:$0x3FB3] =	sst s0;
	s0 =	simm.s32 @!p2 $0x0  }
0x16: {  	s3 =	sld [smem:$0x3FDB];
	s0 =	simm.s32 @p2 $0x1  }
0x17: {  	s4 =	simm.s32 $0x1BF5;
	[smem:$0x3FB5] =	sst s0  }
0x18: {  	s0 =	sld [smem:$0x3F98];
	_ =	swait.ge [sflag:s4], $0x0  }
0x19: {  	s7 =	sld [smem:$0x3F99]  }
0x1a: {  	s8 =	sadd.s32 $0xFFFFE003, lr  }
0x1b: {  	s9 =	sadd.s32 $0xFFFFFEF7, lr;
	s5 =	simm.s32 $0xFFFFFFFF;
	p2 =	slt.u32 s8, $0xFFFFF086  }
0x1c: {  	p1 =	slt.u32 s9, $0xF7A;
	s5 =	simm.s32 @!p2 $0x0  }
0x1d: {  	s5 =	simm.s32 @p1 $0x1;
	p0 =	seq.s32 s7, s2  }
0x1e: {  	s7 =	smul.u32 @!p0 $0xF7A, s2;
	p2 =	seq.s32 @!p0 s5, $0x0  }
0x1f: {  	s9 =	smul.u32 $0xF7A, s1;
	s8 =	simm.s32 @!p0 $0x1BF5;
	p2 =	por !p2, p0  }
0x20: {  	[sflag:s8] =	ssyncset.s32 @!p0 $0xFFFFF086;
	s6 =	sadd.s32 @!p0 s3, s7;
	s7 =	simm.s32 @!p0 $0x108  }
0x21: {  	s3 =	sadd.s32 s3, s9;
	s6 =	sadd.s32 @!p0 $0x88, s6;
	s7 =	simm.s32 @p2 $0x1082  }
0x22: {  	[simem:s7], [sflag:s8] =	dma.local @!p0 [hbm:s6], $0xF7A  }
0x23: {  	s9 =	sor.u32 $0xD0000000, s2;
	s6 =	simm.s32 $0x108;
	_ =	swait.ge @!p0 [sflag:s8], $0x0  }
0x24: {  	s3 =	sadd.s32 $0x88, s3;
	s6 =	simm.s32 @!p1 $0x1082;
	[sflag:s4] =	ssyncset.s32 $0xFFFFF086  }
0x25: {  	[simem:s6], [sflag:s4] =	dma.local [hbm:s3], $0xF7A  }
0x26: {  	[smem:$0x3F99] =	sst s1;
	(tag) =	ssettag s2;
	_ =	strace s9  }
0x27: {  	s1 =	sld [smem:$0x3FA9]  }
0x28: {  	s2 =	sld [smem:$0x3FAA]  }
0x29: {  	s4 =	sld [smem:$0x3FAC]  }
0x2a: {  	p0 =	seq.s32 s5, $0x0;
	s5 =	sld [smem:$0x3FAD]  }
0x2b: {  	s6 =	sld [smem:$0x3FAE]  }
0x2c: {  	s7 =	sld [smem:$0x3FAF]  }
0x2d: {  	s3 =	simm.s32 $0x108;
	s8 =	sld [smem:$0x3FB0]  }
0x2e: {  	s3 =	simm.s32 @!p0 $0x1082;
	s9 =	sld [smem:$0x3FB1]  }
0x2f: {  	lr =	sadd.s32 s0, s3;
	s0 =	sld [smem:$0x3FA8]  }
0x30: {  	s3 =	sld [smem:$0x3FAB]  }
0x31: {  	[smem:$0x3FB4] =	sst s10  }
0x32: {  	s10 =	sld [smem:$0x3FB2];
	_ =	sdelay $0x3  }
0x33: {  	p0 =	seq.s32 s10, $0x1;
	s10 =	sld [smem:$0x3FB4];
	_ =	sdelay $0x3  }
0x34: {  	[smem:$0x3FB4] =	sst s10  }
0x35: {  	s10 =	sld [smem:$0x3FB3];
	_ =	sdelay $0x3  }
0x36: {  	p1 =	seq.s32 s10, $0x1;
	s10 =	sld [smem:$0x3FB4];
	_ =	sdelay $0x3  }
0x37: {  	[smem:$0x3FB4] =	sst s10  }
0x38: {  	s10 =	sld [smem:$0x3FB5]  }
0x39: {  	_ = 	snop;
	(pc) =	sbr.ind lr, $3  }
0x3a: {  	_ = 	snop  }
0x3b: {  	_ = 	snop  }
0x3c: {  	p2 =	seq.s32 s10, $0x1;
	s10 =	sld [smem:$0x3FB4]  }
0x3d: {  	_ =	shalt  }
0x3e: {  	_ =	shalt  }
0x3f: {  	_ =	shalt  }
0x40: {  	_ =	shalt  }
0x41: {  	_ =	shalt  }
0x42: {  	_ =	shalt  }
0x43: {  	_ =	shalt  }
0x44: {  	_ =	shalt  }
0x45: {  	_ =	shalt  }
0x46: {  	_ =	shalt  }
0x47: {  	_ =	shalt  }
0x48: {  	_ =	shalt  }
0x49: {  	_ =	shalt  }
0x4a: {  	_ =	shalt  }
0x4b: {  	_ =	shalt  }
0x4c: {  	_ =	shalt  }
0x4d: {  	_ =	shalt  }
0x4e: {  	_ =	shalt  }
0x4f: {  	_ =	shalt  }
0x50: {  	_ =	shalt  }
0x51: {  	_ =	shalt  }
0x52: {  	_ =	shalt  }
0x53: {  	_ =	shalt  }
0x54: {  	_ =	shalt  }
0x55: {  	_ =	shalt  }
0x56: {  	_ =	shalt  }
0x57: {  	_ =	shalt  }
0x58: {  	_ =	shalt  }
0x59: {  	_ =	shalt  }
0x5a: {  	_ =	shalt  }
0x5b: {  	_ =	shalt  }
0x5c: {  	_ =	shalt  }
0x5d: {  	_ =	shalt  }
0x5e: {  	_ =	shalt  }
0x5f: {  	_ =	shalt  }
0x60: {  	_ =	shalt  }
0x61: {  	_ =	shalt  }
0x62: {  	_ =	shalt  }
0x63: {  	_ =	shalt  }
0x64: {  	_ =	shalt  }
0x65: {  	_ =	shalt  }
0x66: {  	_ =	shalt  }
0x67: {  	_ =	shalt  }
0x68: {  	_ =	shalt  }
0x69: {  	_ =	shalt  }
0x6a: {  	_ =	shalt  }
0x6b: {  	_ =	shalt  }
0x6c: {  	_ =	shalt  }
0x6d: {  	_ =	shalt  }
0x6e: {  	_ =	shalt  }
0x6f: {  	_ =	shalt  }
0x70: {  	_ =	shalt  }
0x71: {  	_ =	shalt  }
0x72: {  	_ =	shalt  }
0x73: {  	_ =	shalt  }
0x74: {  	_ =	shalt  }
0x75: {  	_ =	shalt  }
0x76: {  	_ =	shalt  }
0x77: {  	_ =	shalt  }
0x78: {  	_ =	shalt  }
0x79: {  	_ =	shalt  }
0x7a: {  	_ =	shalt  }
0x7b: {  	_ =	shalt  }
0x7c: {  	_ =	shalt  }
0x7d: {  	_ =	shalt  }
0x7e: {  	_ =	shalt  }
0x7f: {  	_ =	shalt  }
0x80: {  	_ =	shalt  }
0x81: {  	_ =	shalt  }
0x82: {  	_ =	shalt  }
0x83: {  	_ =	shalt  }
0x84: {  	_ =	shalt  }
0x85: {  	_ =	shalt  }
0x86: {  	_ =	shalt  }
0x87: {  	_ =	shalt  }
.Lfunc_end0:
.L_simem_size_0:
called_computation_lowered:
.L_overlay_start_0:
0x88: {  	s2 =	sld [smem:$0x3FD9]  }
0x89: {  	s3 =	sld [smem:$0x3FFE];
	_ =	sdelay $0x1  }
0x8a: {  	s1 =	srdreg.scid  }
0x8b: {  	s0 =	sand.u32 $0x1, s1  }
0x8c: {  	s14 =	sshll.u32 s0, $0xA;
	s2 =	sadd.s32 s3, s2  }
0x8d: {  	s2 =	sadd.s32 s2, s14  }
0x8e: {  	[smem:$0x3FC0] =	sst s2  }
0x8f: {  	_ = 	snop  }
0x90: {  	s2 =	sld [smem:$0x3FD0];
	_ =	sdelay $0x2  }
0x91: {  	s15 =	simm.s32 $0xA;
	s4 =	simm.s32 $0x10  }
0x92: {  	[smem:s4], [sflag:s15] =	dma.local [hbm:s2], $0x1  }
0x93: {  	_ =	swait.eq [sflag:s15], $0x1  }
0x94: {  	[sflag:s15] =	ssyncset.done $0x0  }
0x95: {  	s16 =	sld [smem:$0x10];
	[sflag:s15] =	ssyncadd.s32 $0xFFFFFFFF  }
0x96: {  	s17 =	sld [smem:$0x12];
	(tm) =	ssettm $0x1  }
0x97: {  	s18 =	sld [smem:$0x3FFB];
	_ =	sdelay $0x3  }
0x98: {  	_ =	strace s18  }
0x99: {  	s4 =	sld [smem:$0x3FFC];
	_ =	sdelay $0x3  }
0x9a: {  	_ =	strace s4  }
0x9b: {  	s4 =	sld [smem:$0x3FFD];
	_ =	sdelay $0x3  }
0x9c: {  	_ =	strace s4  }
0x9d: {  	_ =	strace $0x8FFFFFFF  }
0x9e: {  	s19 =	sld [smem:$0x3FDB];
	_ =	sdelay $0x1  }
0x9f: {  	s5 =	simm.s32 $_scs_section_size  }
0xa0: {  	s6 =	simm.s32 $_size__tile_overlayer_lowered;
	s7 =	simm.s32 $_tile_overlayer_lowered  }
0xa1: {  	s22 =	simm.s32 $0x1BFF;
	s21 =	sshll.u32 s7, $0x1;
	s4 =	sadd.s32 s5, s19  }
0xa2: {  	s8 =	simm.s32 $0x0;
	s20 =	sshll.u32 s6, $0x1;
	s6 =	sadd.s32 s21, s4  }
0xa3: {  	[timem:s8], [sflag:s22] =	dma.local [hbm:s6], s20  }
0xa4: {  	_ =	swait.ge [sflag:s22], s20  }
0xa5: {  	s5 =	ssub.s32 $0x0, s20;
	[sflag:s22] =	ssyncset.done $0x0  }
0xa6: {  	[sflag:s22] =	ssyncadd.s32 s5;
	_ =	sdelay $0x1  }
0xa7: {  	s23 =	simm.s32 $0x1B8B  }
0xa8: {  	_ =	swait.ge [sflag:s23], $0x1  }
0xa9: {  	[sflag:s23] =	ssyncset.done $0x0  }
0xaa: {  	s25 =	simm.s32 $0x1B8E;
	s24 =	sld [smem:$0x3FFE];
	[sflag:s23] =	ssyncadd.s32 $0xFFFFFFFF  }
0xab: {  	s26 =	simm.s32 $execute0_lowered;
	[smem:$0x3FD2] =	sst s25  }
0xac: {  	s6 =	sshll.u32 s26, $0x1;
	_ =	strace $0x80000046;
	[dreg:$0x1] =	wrdreg $0xFFFFFFFF  }
0xad: {  	s28 =	simm.s32 $_size_execute0_lowered;
	s4 =	sadd.s32 s4, s6;
	[dreg:$0x0] =	wrdreg $0x0  }
0xae: {  	s6 =	sshll.u32 s28, $0x1;
	[dreg:$0x2] =	wrdreg s4  }
0xaf: {  	[dreg:$0x3] =	wrdreg s6  }
0xb0: {  	[dreg:$0x4] =	wrdreg $0xC0  }
0xb1: {  	_ =	task [dreg:s8], $0x5FFFF  }
0xb2: {  	[dreg:$0x1] =	wrdreg $0xFFFFFFFF  }
0xb3: {  	[dreg:$0x0] =	wrdreg $0x60  }
0xb4: {  	[dreg:$0x2] =	wrdreg s24  }
0xb5: {  	[dreg:$0x3] =	wrdreg s16  }
0xb6: {  	[dreg:$0x4] =	wrdreg s17  }
0xb7: {  	[dreg:$0x5] =	wrdreg $0x50800  }
0xb8: {  	[dreg:$0x6] =	wrdreg $0x53000  }
0xb9: {  	[dreg:$0x7] =	wrdreg $0x9  }
0xba: {  	_ =	task.clear_ibuf [dreg:s8], $0x8FFFF;
	_ =	strace $0x90000046  }
0xbb: {  	s29 =	simm.s32 $0x9;
	_ =	strace $0x80000048  }
0xbc: {  	_ =	swait.ge [sflag:s29], $0x1  }
0xbd: {  	[sflag:s29] =	ssyncadd.s32 $0xFFFFFFFF  }
0xbe: {  	_ =	strace $0x90000048  }
0xbf: {  	_ =	sfence  }
0xc0: {  	s30 =	sld [smem:$0x0];
	_ =	sdelay $0x2  }
0xc1: {  	s31 =	sshll.u32 s1, $0xD;
	s1 =	sshrl.u32 s1, $0x2  }
0xc2: {  	s3 =	sand.u32 $0x4000, s31;
	s1 =	sadd.s32 s1, s30  }
0xc3: {  	s0 =	sor.u32 s3, s0;
	s1 =	sshll.u32 s1, $0x11  }
0xc4: {  	s0 =	sor.u32 s1, s0  }
0xc5: {  	s0 =	sadd.s32 $0x8F2B, s0  }
0xc6: {  	[sflag:s0] =	ssyncadd.remote.s32 $0x1  }
0xc7: {  	_ =	sfence.sel $0xFFFF  }
0xc8: {  	[dreg:$0x0] =	wrdreg $0xFFFFFFFF;
	(pc) =	sbr.abs _section_cstart, $3  }
0xc9: {  	[dreg:$0x1] =	wrdreg $0xFFFFFFFF  }
0xca: {  	_ =	task.clear_ibuf [dreg:s8], $0x2FFFF;
	_ =	strace $0x9FFFFFFF  }
0xcb: {  	(tm) =	ssettm $0x7FFFFFFF  }
tec
execute0_lowered:
.L_overlay_start_1:
0x0: {  	(tag) =	ssettag $0x1  }
0x1: {  	s6 =	rddreg [dreg:$0x0]  }
0x2: {  	s7 =	rddreg [dreg:$0x1]  }
0x3: {  	s0 =	rddreg [dreg:$0x2]  }
0x4: {  	s1 =	rddreg [dreg:$0x3];
	s2 =	srdreg.scid  }
0x5: {  	s11 =	stileid.u32;
	s3 =	rddreg [dreg:$0x4]  }
0x6: {  	s4 =	simm.s32 $0x0;
	s16 =	simm.s32 $0x80;
	s17 =	simm.s32 $0x1  }
0x7: {  	s18 =	simm.s32 $0x2;
	s5 =	sand.u32 $0x1, s2;
	s2 =	rddreg [dreg:$0x5]  }
0x8: {  	s19 =	simm.s32 $0x0;
	s8 =	sshll.u32 s11, $0x1;
	[smem:$0x7FF] =	sst s4  }
0x9: {  	p0 =	sne.s32 s11, $0x0;
	s11 =	simm.s32 $0x3;
	s8 =	sor.u32 s5, s8  }
0xa: {  	_ =	strace $0x80000047;
	s9 =	ssub.s32 $0x2, s5;
	s12 =	sshll.u32 s5, $0x4  }
0xb: {  	s5 =	sadd.s32 $0xC000, s6;
	s14 =	sshrl.u32 @!p0 s1, $0x3;
	s8 =	smul.u32 $0x500, s8  }
0xc: {  	s15 =	sshrl.u32 @!p0 s3, $0x3;
	s13 =	sshrl.u32 s9, $0x1;
	s12 =	sadd.s32 s12, s6  }
0xd: {  	s13 =	ssub.s32 s9, s13;
	s9 =	sadd.s32 $0xD000, s12;
	s10 =	sadd.s32 s8, s6  }
0xe: {  	s7 =	sadd.s32 s7, s8;
	s8 =	sadd.s32 $0xC600, s12;
	s12 =	simm.s32 $0x2800  }
0xf: {  	s6 =	sadd.s32 $0x2000, s10;
	s10 =	smax.u32 s13, $0x1;
	s13 =	simm.s32 $0x5000  }
.LBB2_1:
0x10: {  	[tilespmem:s4], [sflag:$0x3] =	stream.linear.gather [hbm4b:s6+s4], $0x2800, $0x38;
	[tilespmem:$0x5580] =	vst v63  }
0x11: {  	_ =	swait.ge [sflag:s11], $0x2800  }
0x12: {  	[sflag:s11] =	ssyncset.done $0x0  }
0x13: {  	[sflag:s11] =	ssyncadd.s32 $0xFFFFD800  }
0x14: {  	[tilespmem:s12], [sflag:$0x3] =	stream.linear.gather [hbm4b:s7+s4], $0x2800, $0x38;
	[tilespmem:$0x5580] =	vst v63  }
0x15: {  	_ =	swait.ge [sflag:s11], $0x2800  }
0x16: {  	[sflag:s11] =	ssyncset.done $0x0  }
0x17: {  	[sflag:s11] =	ssyncadd.s32 $0xFFFFD800  }
0x18: {  	[tilespmem:s13], [sflag:$0x3] =	stream.linear.gather [hbm4b:s0+s4], $0x80, $0x38;
	[tilespmem:$0x5580] =	vst v63  }
0x19: {  	_ =	swait.ge [sflag:s11], $0x80  }
0x1a: {  	[sflag:s11] =	ssyncset.done $0x0  }
0x1b: {  	s20 =	simm.s32 @!p0 $0x1C03;
	s21 =	simm.s32 @!p0 $0x3;
	[sflag:s11] =	ssyncadd.s32 $0xFFFFFF80  }
0x1c: {  	[spmem:s14], [sflag:s20] =	dma.local @!p0 [hbm:s5], $0x500  }
0x1d: {  	_ =	swait.ge @!p0 [sflag:s21], $0x500  }
0x1e: {  	[sflag:s21] =	ssyncset.done @!p0 $0x0  }
0x1f: {  	[sflag:s21] =	ssyncadd.s32 @!p0 $0xFFFFFB00  }
0x20: {  	[spmem:s15], [sflag:s20] =	dma.local @!p0 [hbm:s5], $0x500  }
0x21: {  	_ =	swait.ge @!p0 [sflag:s21], $0x500  }
0x22: {  	[sflag:s21] =	ssyncset.done @!p0 $0x0  }
0x23: {  	[sflag:s21] =	ssyncadd.s32 @!p0 $0xFFFFFB00  }
0x24: {  	s30 =	simm.s32 $0x0;
	[bflag:$0x0] =	sbarrier.arrive $0xFFFF  }
0x25: {  	[spmem:s1] =	stream.indirect.scatter.add.f32 [tilespmem:s13], [sflag:$0x1], $0x1, s30, s16, $0xb8;
	[tilespmem:$0x5580] =	vst v63  }
0x26: {  	s31 =	simm.s32 $0x2800  }
0x27: {  	[spmem:s3] =	stream.indirect.scatter.add.f32 [tilespmem:s13], [sflag:$0x2], $0x1, s31, s16, $0xb8;
	[tilespmem:$0x5580] =	vst v63  }
0x28: {  	s21 =	simm.s32 $0x80  }
0x29: {  	[spmem:s1] =	stream.indirect.scatter.add.f32 [tilespmem:s13], [sflag:$0x1], $0x1, s21, s16, $0xb8;
	[tilespmem:$0x5580] =	vst v63  }
0x2a: {  	s22 =	simm.s32 $0x2880  }
0x2b: {  	[spmem:s3] =	stream.indirect.scatter.add.f32 [tilespmem:s13], [sflag:$0x2], $0x1, s22, s16, $0xb8;
	[tilespmem:$0x5580] =	vst v63  }
0x2c: {  	s23 =	simm.s32 $0x100  }
0x2d: {  	[spmem:s1] =	stream.indirect.scatter.add.f32 [tilespmem:s13], [sflag:$0x1], $0x1, s23, s16, $0xb8;
	[tilespmem:$0x5580] =	vst v63  }
0x2e: {  	s24 =	simm.s32 $0x2900  }
0x2f: {  	[spmem:s3] =	stream.indirect.scatter.add.f32 [tilespmem:s13], [sflag:$0x2], $0x1, s24, s16, $0xb8;
	[tilespmem:$0x5580] =	vst v63  }
0x30: {  	s25 =	simm.s32 $0x180  }
0x31: {  	[spmem:s1] =	stream.indirect.scatter.add.f32 [tilespmem:s13], [sflag:$0x1], $0x1, s25, s16, $0xb8;
	[tilespmem:$0x5580] =	vst v63  }
0x32: {  	s26 =	simm.s32 $0x2980  }
0x33: {  	[spmem:s3] =	stream.indirect.scatter.add.f32 [tilespmem:s13], [sflag:$0x2], $0x1, s26, s16, $0xb8;
	[tilespmem:$0x5580] =	vst v63  }
0x34: {  	s28 =	simm.s32 $0x200  }
0x35: {  	[spmem:s1] =	stream.indirect.scatter.add.f32 [tilespmem:s13], [sflag:$0x1], $0x1, s28, s16, $0xb8;
	[tilespmem:$0x5580] =	vst v63  }
0x36: {  	s29 =	simm.s32 $0x2A00  }
0x37: {  	[spmem:s3] =	stream.indirect.scatter.add.f32 [tilespmem:s13], [sflag:$0x2], $0x1, s29, s16, $0xb8;
	[tilespmem:$0x5580] =	vst v63  }
0x38: {  	s30 =	simm.s32 $0x280  }
0x39: {  	[spmem:s1] =	stream.indirect.scatter.add.f32 [tilespmem:s13], [sflag:$0x1], $0x1, s30, s16, $0xb8;
	[tilespmem:$0x5580] =	vst v63  }
0x3a: {  	s31 =	simm.s32 $0x2A80  }
0x3b: {  	[spmem:s3] =	stream.indirect.scatter.add.f32 [tilespmem:s13], [sflag:$0x2], $0x1, s31, s16, $0xb8;
	[tilespmem:$0x5580] =	vst v63  }
0x3c: {  	s21 =	simm.s32 $0x300  }
0x3d: {  	[spmem:s1] =	stream.indirect.scatter.add.f32 [tilespmem:s13], [sflag:$0x1], $0x1, s21, s16, $0xb8;
	[tilespmem:$0x5580] =	vst v63  }
0x3e: {  	s22 =	simm.s32 $0x2B00  }
0x3f: {  	[spmem:s3] =	stream.indirect.scatter.add.f32 [tilespmem:s13], [sflag:$0x2], $0x1, s22, s16, $0xb8;
	[tilespmem:$0x5580] =	vst v63  }
0x40: {  	s23 =	simm.s32 $0x380  }
0x41: {  	[spmem:s1] =	stream.indirect.scatter.add.f32 [tilespmem:s13], [sflag:$0x1], $0x1, s23, s16, $0xb8;
	[tilespmem:$0x5580] =	vst v63  }
0x42: {  	s24 =	simm.s32 $0x2B80  }
0x43: {  	[spmem:s3] =	stream.indirect.scatter.add.f32 [tilespmem:s13], [sflag:$0x2], $0x1, s24, s16, $0xb8;
	[tilespmem:$0x5580] =	vst v63  }
0x44: {  	s25 =	simm.s32 $0x400  }
0x45: {  	[spmem:s1] =	stream.indirect.scatter.add.f32 [tilespmem:s13], [sflag:$0x1], $0x1, s25, s16, $0xb8;
	[tilespmem:$0x5580] =	vst v63  }
0x46: {  	s26 =	simm.s32 $0x2C00  }
0x47: {  	[spmem:s3] =	stream.indirect.scatter.add.f32 [tilespmem:s13], [sflag:$0x2], $0x1, s26, s16, $0xb8;
	[tilespmem:$0x5580] =	vst v63  }
0x48: {  	s28 =	simm.s32 $0x480  }
0x49: {  	[spmem:s1] =	stream.indirect.scatter.add.f32 [tilespmem:s13], [sflag:$0x1], $0x1, s28, s16, $0xb8;
	[tilespmem:$0x5580] =	vst v63  }
0x4a: {  	s29 =	simm.s32 $0x2C80  }
0x4b: {  	[spmem:s3] =	stream.indirect.scatter.add.f32 [tilespmem:s13], [sflag:$0x2], $0x1, s29, s16, $0xb8;
	[tilespmem:$0x5580] =	vst v63  }
0x4c: {  	s30 =	simm.s32 $0x500  }
0x4d: {  	[spmem:s1] =	stream.indirect.scatter.add.f32 [tilespmem:s13], [sflag:$0x1], $0x1, s30, s16, $0xb8;
	[tilespmem:$0x5580] =	vst v63  }
0x4e: {  	s31 =	simm.s32 $0x2D00  }
0x4f: {  	[spmem:s3] =	stream.indirect.scatter.add.f32 [tilespmem:s13], [sflag:$0x2], $0x1, s31, s16, $0xb8;
	[tilespmem:$0x5580] =	vst v63  }
0x50: {  	s21 =	simm.s32 $0x580  }
0x51: {  	[spmem:s1] =	stream.indirect.scatter.add.f32 [tilespmem:s13], [sflag:$0x1], $0x1, s21, s16, $0xb8;
	[tilespmem:$0x5580] =	vst v63  }
0x52: {  	s22 =	simm.s32 $0x2D80  }
0x53: {  	[spmem:s3] =	stream.indirect.scatter.add.f32 [tilespmem:s13], [sflag:$0x2], $0x1, s22, s16, $0xb8;
	[tilespmem:$0x5580] =	vst v63  }
0x54: {  	s23 =	simm.s32 $0x600  }
0x55: {  	[spmem:s1] =	stream.indirect.scatter.add.f32 [tilespmem:s13], [sflag:$0x1], $0x1, s23, s16, $0xb8;
	[tilespmem:$0x5580] =	vst v63  }
0x56: {  	s24 =	simm.s32 $0x2E00  }
0x57: {  	[spmem:s3] =	stream.indirect.scatter.add.f32 [tilespmem:s13], [sflag:$0x2], $0x1, s24, s16, $0xb8;
	[tilespmem:$0x5580] =	vst v63  }
0x58: {  	s25 =	simm.s32 $0x680  }
0x59: {  	[spmem:s1] =	stream.indirect.scatter.add.f32 [tilespmem:s13], [sflag:$0x1], $0x1, s25, s16, $0xb8;
	[tilespmem:$0x5580] =	vst v63  }
0x5a: {  	s26 =	simm.s32 $0x2E80  }
0x5b: {  	[spmem:s3] =	stream.indirect.scatter.add.f32 [tilespmem:s13], [sflag:$0x2], $0x1, s26, s16, $0xb8;
	[tilespmem:$0x5580] =	vst v63  }
0x5c: {  	s28 =	simm.s32 $0x700  }
0x5d: {  	[spmem:s1] =	stream.indirect.scatter.add.f32 [tilespmem:s13], [sflag:$0x1], $0x1, s28, s16, $0xb8;
	[tilespmem:$0x5580] =	vst v63  }
0x5e: {  	s29 =	simm.s32 $0x2F00  }
0x5f: {  	[spmem:s3] =	stream.indirect.scatter.add.f32 [tilespmem:s13], [sflag:$0x2], $0x1, s29, s16, $0xb8;
	[tilespmem:$0x5580] =	vst v63  }
0x60: {  	s30 =	simm.s32 $0x780  }
0x61: {  	[spmem:s1] =	stream.indirect.scatter.add.f32 [tilespmem:s13], [sflag:$0x1], $0x1, s30, s16, $0xb8;
	[tilespmem:$0x5580] =	vst v63  }
0x62: {  	s31 =	simm.s32 $0x2F80  }
0x63: {  	[spmem:s3] =	stream.indirect.scatter.add.f32 [tilespmem:s13], [sflag:$0x2], $0x1, s31, s16, $0xb8;
	[tilespmem:$0x5580] =	vst v63  }
0x64: {  	_ =	swait.ge [sflag:s17], $0x80  }
0x65: {  	[sflag:s17] =	ssyncset.done $0x0  }
0x66: {  	[sflag:s17] =	ssyncadd.s32 $0xFFFFFF80  }
0x67: {  	_ =	swait.ge [sflag:s18], $0x80  }
0x68: {  	[sflag:s18] =	ssyncset.done $0x0  }
0x69: {  	[sflag:s18] =	ssyncadd.s32 $0xFFFFFF80  }
0x6a: {  	_ =	swait.ge [sflag:s17], $0x80  }
0x6b: {  	[sflag:s17] =	ssyncset.done $0x0  }
0x6c: {  	[sflag:s17] =	ssyncadd.s32 $0xFFFFFF80  }
0x6d: {  	_ =	swait.ge [sflag:s18], $0x80  }
0x6e: {  	[sflag:s18] =	ssyncset.done $0x0  }
0x6f: {  	[sflag:s18] =	ssyncadd.s32 $0xFFFFFF80  }
0x70: {  	_ =	swait.ge [sflag:s17], $0x80  }
0x71: {  	[sflag:s17] =	ssyncset.done $0x0  }
0x72: {  	[sflag:s17] =	ssyncadd.s32 $0xFFFFFF80  }
0x73: {  	_ =	swait.ge [sflag:s18], $0x80  }
0x74: {  	[sflag:s18] =	ssyncset.done $0x0  }
0x75: {  	[sflag:s18] =	ssyncadd.s32 $0xFFFFFF80  }
0x76: {  	_ =	swait.ge [sflag:s17], $0x80  }
0x77: {  	[sflag:s17] =	ssyncset.done $0x0  }
0x78: {  	[sflag:s17] =	ssyncadd.s32 $0xFFFFFF80  }
0x79: {  	_ =	swait.ge [sflag:s18], $0x80  }
0x7a: {  	[sflag:s18] =	ssyncset.done $0x0  }
0x7b: {  	[sflag:s18] =	ssyncadd.s32 $0xFFFFFF80  }
0x7c: {  	_ =	swait.ge [sflag:s17], $0x80  }
0x7d: {  	[sflag:s17] =	ssyncset.done $0x0  }
0x7e: {  	[sflag:s17] =	ssyncadd.s32 $0xFFFFFF80  }
0x7f: {  	_ =	swait.ge [sflag:s18], $0x80  }
0x80: {  	[sflag:s18] =	ssyncset.done $0x0  }
0x81: {  	[sflag:s18] =	ssyncadd.s32 $0xFFFFFF80  }
0x82: {  	_ =	swait.ge [sflag:s17], $0x80  }
0x83: {  	[sflag:s17] =	ssyncset.done $0x0  }
0x84: {  	[sflag:s17] =	ssyncadd.s32 $0xFFFFFF80  }
0x85: {  	_ =	swait.ge [sflag:s18], $0x80  }
0x86: {  	[sflag:s18] =	ssyncset.done $0x0  }
0x87: {  	[sflag:s18] =	ssyncadd.s32 $0xFFFFFF80  }
0x88: {  	_ =	swait.ge [sflag:s17], $0x80  }
0x89: {  	[sflag:s17] =	ssyncset.done $0x0  }
0x8a: {  	[sflag:s17] =	ssyncadd.s32 $0xFFFFFF80  }
0x8b: {  	_ =	swait.ge [sflag:s18], $0x80  }
0x8c: {  	[sflag:s18] =	ssyncset.done $0x0  }
0x8d: {  	[sflag:s18] =	ssyncadd.s32 $0xFFFFFF80  }
0x8e: {  	_ =	swait.ge [sflag:s17], $0x80  }
0x8f: {  	[sflag:s17] =	ssyncset.done $0x0  }
0x90: {  	[sflag:s17] =	ssyncadd.s32 $0xFFFFFF80  }
0x91: {  	_ =	swait.ge [sflag:s18], $0x80  }
0x92: {  	[sflag:s18] =	ssyncset.done $0x0  }
0x93: {  	[sflag:s18] =	ssyncadd.s32 $0xFFFFFF80  }
0x94: {  	_ =	swait.ge [sflag:s17], $0x80  }
0x95: {  	[sflag:s17] =	ssyncset.done $0x0  }
0x96: {  	[sflag:s17] =	ssyncadd.s32 $0xFFFFFF80  }
0x97: {  	_ =	swait.ge [sflag:s18], $0x80  }
0x98: {  	[sflag:s18] =	ssyncset.done $0x0  }
0x99: {  	[sflag:s18] =	ssyncadd.s32 $0xFFFFFF80  }
0x9a: {  	_ =	swait.ge [sflag:s17], $0x80  }
0x9b: {  	[sflag:s17] =	ssyncset.done $0x0  }
0x9c: {  	[sflag:s17] =	ssyncadd.s32 $0xFFFFFF80  }
0x9d: {  	_ =	swait.ge [sflag:s18], $0x80  }
0x9e: {  	[sflag:s18] =	ssyncset.done $0x0  }
0x9f: {  	[sflag:s18] =	ssyncadd.s32 $0xFFFFFF80  }
0xa0: {  	_ =	swait.ge [sflag:s17], $0x80  }
0xa1: {  	[sflag:s17] =	ssyncset.done $0x0  }
0xa2: {  	[sflag:s17] =	ssyncadd.s32 $0xFFFFFF80  }
0xa3: {  	_ =	swait.ge [sflag:s18], $0x80  }
0xa4: {  	[sflag:s18] =	ssyncset.done $0x0  }
0xa5: {  	[sflag:s18] =	ssyncadd.s32 $0xFFFFFF80  }
0xa6: {  	_ =	swait.ge [sflag:s17], $0x80  }
0xa7: {  	[sflag:s17] =	ssyncset.done $0x0  }
0xa8: {  	[sflag:s17] =	ssyncadd.s32 $0xFFFFFF80  }
0xa9: {  	_ =	swait.ge [sflag:s18], $0x80  }
0xaa: {  	[sflag:s18] =	ssyncset.done $0x0  }
0xab: {  	[sflag:s18] =	ssyncadd.s32 $0xFFFFFF80  }
0xac: {  	_ =	swait.ge [sflag:s17], $0x80  }
0xad: {  	[sflag:s17] =	ssyncset.done $0x0  }
0xae: {  	[sflag:s17] =	ssyncadd.s32 $0xFFFFFF80  }
0xaf: {  	_ =	swait.ge [sflag:s18], $0x80  }
0xb0: {  	[sflag:s18] =	ssyncset.done $0x0  }
0xb1: {  	[sflag:s18] =	ssyncadd.s32 $0xFFFFFF80  }
0xb2: {  	_ =	swait.ge [sflag:s17], $0x80  }
0xb3: {  	[sflag:s17] =	ssyncset.done $0x0  }
0xb4: {  	[sflag:s17] =	ssyncadd.s32 $0xFFFFFF80  }
0xb5: {  	_ =	swait.ge [sflag:s18], $0x80  }
0xb6: {  	[sflag:s18] =	ssyncset.done $0x0  }
0xb7: {  	[sflag:s18] =	ssyncadd.s32 $0xFFFFFF80  }
0xb8: {  	_ =	swait.ge [sflag:s17], $0x80  }
0xb9: {  	[sflag:s17] =	ssyncset.done $0x0  }
0xba: {  	[sflag:s17] =	ssyncadd.s32 $0xFFFFFF80  }
0xbb: {  	_ =	swait.ge [sflag:s18], $0x80  }
0xbc: {  	[sflag:s18] =	ssyncset.done $0x0  }
0xbd: {  	[sflag:s18] =	ssyncadd.s32 $0xFFFFFF80  }
0xbe: {  	_ =	swait.ge [sflag:s17], $0x80  }
0xbf: {  	[sflag:s17] =	ssyncset.done $0x0  }
0xc0: {  	[sflag:s17] =	ssyncadd.s32 $0xFFFFFF80  }
0xc1: {  	_ =	swait.ge [sflag:s18], $0x80  }
0xc2: {  	s20 =	simm.s32 $0x2000;
	s23 =	simm.s32 $0x4000;
	[sflag:s18] =	ssyncset.done $0x0  }
.LBB2_2:
0xc3: {  	s22 =	sshra.s32 s20, $0x2  }
0xc4: {  	[sflag:s18] =	ssyncadd.s32 $0xFFFFFF80;
	s20 =	smov.u32 s23;
	s21 =	sadd.s32 $0x2000, s23  }
0xc5: {  	[spmem:s1] =	stream.indirect.scatter.add.f32 [tilespmem:s13], [sflag:$0x1], $0x1, s22, s16, $0xb8;
	[tilespmem:$0x5580] =	vst v63  }
0xc6: {  	p1 =	sne.s32 s23, $0x8000;
	s23 =	sadd.s32 $0x2800, s22  }
0xc7: {  	[spmem:s3] =	stream.indirect.scatter.add.f32 [tilespmem:s13], [sflag:$0x2], $0x1, s23, s16, $0xb8;
	[tilespmem:$0x5580] =	vst v63  }
0xc8: {  	s23 =	sadd.s32 $0x80, s22  }
0xc9: {  	[spmem:s1] =	stream.indirect.scatter.add.f32 [tilespmem:s13], [sflag:$0x1], $0x1, s23, s16, $0xb8;
	[tilespmem:$0x5580] =	vst v63  }
0xca: {  	s23 =	sadd.s32 $0x2880, s22  }
0xcb: {  	[spmem:s3] =	stream.indirect.scatter.add.f32 [tilespmem:s13], [sflag:$0x2], $0x1, s23, s16, $0xb8;
	[tilespmem:$0x5580] =	vst v63  }
0xcc: {  	s23 =	sadd.s32 $0x100, s22  }
0xcd: {  	[spmem:s1] =	stream.indirect.scatter.add.f32 [tilespmem:s13], [sflag:$0x1], $0x1, s23, s16, $0xb8;
	[tilespmem:$0x5580] =	vst v63  }
0xce: {  	s23 =	sadd.s32 $0x2900, s22  }
0xcf: {  	[spmem:s3] =	stream.indirect.scatter.add.f32 [tilespmem:s13], [sflag:$0x2], $0x1, s23, s16, $0xb8;
	[tilespmem:$0x5580] =	vst v63  }
0xd0: {  	s23 =	sadd.s32 $0x180, s22  }
0xd1: {  	[spmem:s1] =	stream.indirect.scatter.add.f32 [tilespmem:s13], [sflag:$0x1], $0x1, s23, s16, $0xb8;
	[tilespmem:$0x5580] =	vst v63  }
0xd2: {  	s23 =	sadd.s32 $0x2980, s22  }
0xd3: {  	[spmem:s3] =	stream.indirect.scatter.add.f32 [tilespmem:s13], [sflag:$0x2], $0x1, s23, s16, $0xb8;
	[tilespmem:$0x5580] =	vst v63  }
0xd4: {  	s23 =	sadd.s32 $0x200, s22  }
0xd5: {  	[spmem:s1] =	stream.indirect.scatter.add.f32 [tilespmem:s13], [sflag:$0x1], $0x1, s23, s16, $0xb8;
	[tilespmem:$0x5580] =	vst v63  }
0xd6: {  	s23 =	sadd.s32 $0x2A00, s22  }
0xd7: {  	[spmem:s3] =	stream.indirect.scatter.add.f32 [tilespmem:s13], [sflag:$0x2], $0x1, s23, s16, $0xb8;
	[tilespmem:$0x5580] =	vst v63  }
0xd8: {  	s23 =	sadd.s32 $0x280, s22  }
0xd9: {  	[spmem:s1] =	stream.indirect.scatter.add.f32 [tilespmem:s13], [sflag:$0x1], $0x1, s23, s16, $0xb8;
	[tilespmem:$0x5580] =	vst v63  }
0xda: {  	s23 =	sadd.s32 $0x2A80, s22  }
0xdb: {  	[spmem:s3] =	stream.indirect.scatter.add.f32 [tilespmem:s13], [sflag:$0x2], $0x1, s23, s16, $0xb8;
	[tilespmem:$0x5580] =	vst v63  }
0xdc: {  	s23 =	sadd.s32 $0x300, s22  }
0xdd: {  	[spmem:s1] =	stream.indirect.scatter.add.f32 [tilespmem:s13], [sflag:$0x1], $0x1, s23, s16, $0xb8;
	[tilespmem:$0x5580] =	vst v63  }
0xde: {  	s23 =	sadd.s32 $0x2B00, s22  }
0xdf: {  	[spmem:s3] =	stream.indirect.scatter.add.f32 [tilespmem:s13], [sflag:$0x2], $0x1, s23, s16, $0xb8;
	[tilespmem:$0x5580] =	vst v63  }
0xe0: {  	s23 =	sadd.s32 $0x380, s22  }
0xe1: {  	[spmem:s1] =	stream.indirect.scatter.add.f32 [tilespmem:s13], [sflag:$0x1], $0x1, s23, s16, $0xb8;
	[tilespmem:$0x5580] =	vst v63  }
0xe2: {  	s23 =	sadd.s32 $0x2B80, s22  }
0xe3: {  	[spmem:s3] =	stream.indirect.scatter.add.f32 [tilespmem:s13], [sflag:$0x2], $0x1, s23, s16, $0xb8;
	[tilespmem:$0x5580] =	vst v63  }
0xe4: {  	s23 =	sadd.s32 $0x400, s22  }
0xe5: {  	[spmem:s1] =	stream.indirect.scatter.add.f32 [tilespmem:s13], [sflag:$0x1], $0x1, s23, s16, $0xb8;
	[tilespmem:$0x5580] =	vst v63  }
0xe6: {  	s23 =	sadd.s32 $0x2C00, s22  }
0xe7: {  	[spmem:s3] =	stream.indirect.scatter.add.f32 [tilespmem:s13], [sflag:$0x2], $0x1, s23, s16, $0xb8;
	[tilespmem:$0x5580] =	vst v63  }
0xe8: {  	s23 =	sadd.s32 $0x480, s22  }
0xe9: {  	[spmem:s1] =	stream.indirect.scatter.add.f32 [tilespmem:s13], [sflag:$0x1], $0x1, s23, s16, $0xb8;
	[tilespmem:$0x5580] =	vst v63  }
0xea: {  	s23 =	sadd.s32 $0x2C80, s22  }
0xeb: {  	[spmem:s3] =	stream.indirect.scatter.add.f32 [tilespmem:s13], [sflag:$0x2], $0x1, s23, s16, $0xb8;
	[tilespmem:$0x5580] =	vst v63  }
0xec: {  	s23 =	sadd.s32 $0x500, s22  }
0xed: {  	[spmem:s1] =	stream.indirect.scatter.add.f32 [tilespmem:s13], [sflag:$0x1], $0x1, s23, s16, $0xb8;
	[tilespmem:$0x5580] =	vst v63  }
0xee: {  	s23 =	sadd.s32 $0x2D00, s22  }
0xef: {  	[spmem:s3] =	stream.indirect.scatter.add.f32 [tilespmem:s13], [sflag:$0x2], $0x1, s23, s16, $0xb8;
	[tilespmem:$0x5580] =	vst v63  }
0xf0: {  	s23 =	sadd.s32 $0x580, s22  }
0xf1: {  	[spmem:s1] =	stream.indirect.scatter.add.f32 [tilespmem:s13], [sflag:$0x1], $0x1, s23, s16, $0xb8;
	[tilespmem:$0x5580] =	vst v63  }
0xf2: {  	s23 =	sadd.s32 $0x2D80, s22  }
0xf3: {  	[spmem:s3] =	stream.indirect.scatter.add.f32 [tilespmem:s13], [sflag:$0x2], $0x1, s23, s16, $0xb8;
	[tilespmem:$0x5580] =	vst v63  }
0xf4: {  	s23 =	sadd.s32 $0x600, s22  }
0xf5: {  	[spmem:s1] =	stream.indirect.scatter.add.f32 [tilespmem:s13], [sflag:$0x1], $0x1, s23, s16, $0xb8;
	[tilespmem:$0x5580] =	vst v63  }
0xf6: {  	s23 =	sadd.s32 $0x2E00, s22  }
0xf7: {  	[spmem:s3] =	stream.indirect.scatter.add.f32 [tilespmem:s13], [sflag:$0x2], $0x1, s23, s16, $0xb8;
	[tilespmem:$0x5580] =	vst v63  }
0xf8: {  	s23 =	sadd.s32 $0x680, s22  }
0xf9: {  	[spmem:s1] =	stream.indirect.scatter.add.f32 [tilespmem:s13], [sflag:$0x1], $0x1, s23, s16, $0xb8;
	[tilespmem:$0x5580] =	vst v63  }
0xfa: {  	s23 =	sadd.s32 $0x2E80, s22  }
0xfb: {  	[spmem:s3] =	stream.indirect.scatter.add.f32 [tilespmem:s13], [sflag:$0x2], $0x1, s23, s16, $0xb8;
	[tilespmem:$0x5580] =	vst v63  }
0xfc: {  	s23 =	sadd.s32 $0x700, s22  }
0xfd: {  	[spmem:s1] =	stream.indirect.scatter.add.f32 [tilespmem:s13], [sflag:$0x1], $0x1, s23, s16, $0xb8;
	[tilespmem:$0x5580] =	vst v63  }
0xfe: {  	s23 =	sadd.s32 $0x2F00, s22  }
0xff: {  	[spmem:s3] =	stream.indirect.scatter.add.f32 [tilespmem:s13], [sflag:$0x2], $0x1, s23, s16, $0xb8;
	[tilespmem:$0x5580] =	vst v63  }
0x100: {  	s23 =	sadd.s32 $0x780, s22  }
0x101: {  	[spmem:s1] =	stream.indirect.scatter.add.f32 [tilespmem:s13], [sflag:$0x1], $0x1, s23, s16, $0xb8;
	[tilespmem:$0x5580] =	vst v63  }
0x102: {  	s22 =	sadd.s32 $0x2F80, s22  }
0x103: {  	[spmem:s3] =	stream.indirect.scatter.add.f32 [tilespmem:s13], [sflag:$0x2], $0x1, s22, s16, $0xb8;
	[tilespmem:$0x5580] =	vst v63  }
0x104: {  	_ =	swait.ge [sflag:s17], $0x80  }
0x105: {  	[sflag:s17] =	ssyncset.done $0x0  }
0x106: {  	[sflag:s17] =	ssyncadd.s32 $0xFFFFFF80  }
0x107: {  	_ =	swait.ge [sflag:s18], $0x80  }
0x108: {  	[sflag:s18] =	ssyncset.done $0x0  }
0x109: {  	[sflag:s18] =	ssyncadd.s32 $0xFFFFFF80  }
0x10a: {  	_ =	swait.ge [sflag:s17], $0x80  }
0x10b: {  	[sflag:s17] =	ssyncset.done $0x0  }
0x10c: {  	[sflag:s17] =	ssyncadd.s32 $0xFFFFFF80  }
0x10d: {  	_ =	swait.ge [sflag:s18], $0x80  }
0x10e: {  	[sflag:s18] =	ssyncset.done $0x0  }
0x10f: {  	[sflag:s18] =	ssyncadd.s32 $0xFFFFFF80  }
0x110: {  	_ =	swait.ge [sflag:s17], $0x80  }
0x111: {  	[sflag:s17] =	ssyncset.done $0x0  }
0x112: {  	[sflag:s17] =	ssyncadd.s32 $0xFFFFFF80  }
0x113: {  	_ =	swait.ge [sflag:s18], $0x80  }
0x114: {  	[sflag:s18] =	ssyncset.done $0x0  }
0x115: {  	[sflag:s18] =	ssyncadd.s32 $0xFFFFFF80  }
0x116: {  	_ =	swait.ge [sflag:s17], $0x80  }
0x117: {  	[sflag:s17] =	ssyncset.done $0x0  }
0x118: {  	[sflag:s17] =	ssyncadd.s32 $0xFFFFFF80  }
0x119: {  	_ =	swait.ge [sflag:s18], $0x80  }
0x11a: {  	[sflag:s18] =	ssyncset.done $0x0  }
0x11b: {  	[sflag:s18] =	ssyncadd.s32 $0xFFFFFF80  }
0x11c: {  	_ =	swait.ge [sflag:s17], $0x80  }
0x11d: {  	[sflag:s17] =	ssyncset.done $0x0  }
0x11e: {  	[sflag:s17] =	ssyncadd.s32 $0xFFFFFF80  }
0x11f: {  	_ =	swait.ge [sflag:s18], $0x80  }
0x120: {  	[sflag:s18] =	ssyncset.done $0x0  }
0x121: {  	[sflag:s18] =	ssyncadd.s32 $0xFFFFFF80  }
0x122: {  	_ =	swait.ge [sflag:s17], $0x80  }
0x123: {  	[sflag:s17] =	ssyncset.done $0x0  }
0x124: {  	[sflag:s17] =	ssyncadd.s32 $0xFFFFFF80  }
0x125: {  	_ =	swait.ge [sflag:s18], $0x80  }
0x126: {  	[sflag:s18] =	ssyncset.done $0x0  }
0x127: {  	[sflag:s18] =	ssyncadd.s32 $0xFFFFFF80  }
0x128: {  	_ =	swait.ge [sflag:s17], $0x80  }
0x129: {  	[sflag:s17] =	ssyncset.done $0x0  }
0x12a: {  	[sflag:s17] =	ssyncadd.s32 $0xFFFFFF80  }
0x12b: {  	_ =	swait.ge [sflag:s18], $0x80  }
0x12c: {  	[sflag:s18] =	ssyncset.done $0x0  }
0x12d: {  	[sflag:s18] =	ssyncadd.s32 $0xFFFFFF80  }
0x12e: {  	_ =	swait.ge [sflag:s17], $0x80  }
0x12f: {  	[sflag:s17] =	ssyncset.done $0x0  }
0x130: {  	[sflag:s17] =	ssyncadd.s32 $0xFFFFFF80  }
0x131: {  	_ =	swait.ge [sflag:s18], $0x80  }
0x132: {  	[sflag:s18] =	ssyncset.done $0x0  }
0x133: {  	[sflag:s18] =	ssyncadd.s32 $0xFFFFFF80  }
0x134: {  	_ =	swait.ge [sflag:s17], $0x80  }
0x135: {  	[sflag:s17] =	ssyncset.done $0x0  }
0x136: {  	[sflag:s17] =	ssyncadd.s32 $0xFFFFFF80  }
0x137: {  	_ =	swait.ge [sflag:s18], $0x80  }
0x138: {  	[sflag:s18] =	ssyncset.done $0x0  }
0x139: {  	[sflag:s18] =	ssyncadd.s32 $0xFFFFFF80  }
0x13a: {  	_ =	swait.ge [sflag:s17], $0x80  }
0x13b: {  	[sflag:s17] =	ssyncset.done $0x0  }
0x13c: {  	[sflag:s17] =	ssyncadd.s32 $0xFFFFFF80  }
0x13d: {  	_ =	swait.ge [sflag:s18], $0x80  }
0x13e: {  	[sflag:s18] =	ssyncset.done $0x0  }
0x13f: {  	[sflag:s18] =	ssyncadd.s32 $0xFFFFFF80  }
0x140: {  	_ =	swait.ge [sflag:s17], $0x80  }
0x141: {  	[sflag:s17] =	ssyncset.done $0x0  }
0x142: {  	[sflag:s17] =	ssyncadd.s32 $0xFFFFFF80  }
0x143: {  	_ =	swait.ge [sflag:s18], $0x80  }
0x144: {  	[sflag:s18] =	ssyncset.done $0x0  }
0x145: {  	[sflag:s18] =	ssyncadd.s32 $0xFFFFFF80  }
0x146: {  	_ =	swait.ge [sflag:s17], $0x80  }
0x147: {  	[sflag:s17] =	ssyncset.done $0x0  }
0x148: {  	[sflag:s17] =	ssyncadd.s32 $0xFFFFFF80  }
0x149: {  	_ =	swait.ge [sflag:s18], $0x80  }
0x14a: {  	[sflag:s18] =	ssyncset.done $0x0  }
0x14b: {  	[sflag:s18] =	ssyncadd.s32 $0xFFFFFF80  }
0x14c: {  	_ =	swait.ge [sflag:s17], $0x80  }
0x14d: {  	[sflag:s17] =	ssyncset.done $0x0  }
0x14e: {  	[sflag:s17] =	ssyncadd.s32 $0xFFFFFF80  }
0x14f: {  	_ =	swait.ge [sflag:s18], $0x80  }
0x150: {  	[sflag:s18] =	ssyncset.done $0x0  }
0x151: {  	[sflag:s18] =	ssyncadd.s32 $0xFFFFFF80  }
0x152: {  	_ =	swait.ge [sflag:s17], $0x80  }
0x153: {  	[sflag:s17] =	ssyncset.done $0x0  }
0x154: {  	[sflag:s17] =	ssyncadd.s32 $0xFFFFFF80  }
0x155: {  	_ =	swait.ge [sflag:s18], $0x80  }
0x156: {  	[sflag:s18] =	ssyncset.done $0x0  }
0x157: {  	[sflag:s18] =	ssyncadd.s32 $0xFFFFFF80  }
0x158: {  	_ =	swait.ge [sflag:s17], $0x80  }
0x159: {  	[sflag:s17] =	ssyncset.done $0x0  }
0x15a: {  	[sflag:s17] =	ssyncadd.s32 $0xFFFFFF80  }
0x15b: {  	_ =	swait.ge [sflag:s18], $0x80  }
0x15c: {  	[sflag:s18] =	ssyncset.done $0x0  }
0x15d: {  	[sflag:s18] =	ssyncadd.s32 $0xFFFFFF80  }
.Ltmp0:
0x15e: {  	_ =	swait.ge [sflag:s17], $0x80;
	(pc) =	sbr.rel @p1 .LBB2_2-.Ltmp0, $4  }
0x15f: {  	[sflag:s17] =	ssyncset.done $0x0  }
0x160: {  	[sflag:s17] =	ssyncadd.s32 $0xFFFFFF80  }
0x161: {  	_ =	swait.ge [sflag:s18], $0x80  }
0x162: {  	s23 =	smov.u32 s21;
	[sflag:s18] =	ssyncset.done $0x0  }
0x163: {  	s20 =	sshra.s32 s20, $0x2;
	[sflag:s18] =	ssyncadd.s32 $0xFFFFFF80  }
0x164: {  	[spmem:s1] =	stream.indirect.scatter.add.f32 [tilespmem:s13], [sflag:$0x1], $0x1, s20, s16, $0xb8;
	[tilespmem:$0x5580] =	vst v63  }
0x165: {  	s21 =	sadd.s32 $0x2800, s20  }
0x166: {  	[spmem:s3] =	stream.indirect.scatter.add.f32 [tilespmem:s13], [sflag:$0x2], $0x1, s21, s16, $0xb8;
	[tilespmem:$0x5580] =	vst v63  }
0x167: {  	s30 =	sadd.s32 $0x80, s20  }
0x168: {  	[spmem:s1] =	stream.indirect.scatter.add.f32 [tilespmem:s13], [sflag:$0x1], $0x1, s30, s16, $0xb8;
	[tilespmem:$0x5580] =	vst v63  }
0x169: {  	s31 =	sadd.s32 $0x2880, s20  }
0x16a: {  	[spmem:s3] =	stream.indirect.scatter.add.f32 [tilespmem:s13], [sflag:$0x2], $0x1, s31, s16, $0xb8;
	[tilespmem:$0x5580] =	vst v63  }
0x16b: {  	s22 =	sadd.s32 $0x100, s20  }
0x16c: {  	[spmem:s1] =	stream.indirect.scatter.add.f32 [tilespmem:s13], [sflag:$0x1], $0x1, s22, s16, $0xb8;
	[tilespmem:$0x5580] =	vst v63  }
0x16d: {  	s23 =	sadd.s32 $0x2900, s20  }
0x16e: {  	[spmem:s3] =	stream.indirect.scatter.add.f32 [tilespmem:s13], [sflag:$0x2], $0x1, s23, s16, $0xb8;
	[tilespmem:$0x5580] =	vst v63  }
0x16f: {  	s24 =	sadd.s32 $0x180, s20  }
0x170: {  	[spmem:s1] =	stream.indirect.scatter.add.f32 [tilespmem:s13], [sflag:$0x1], $0x1, s24, s16, $0xb8;
	[tilespmem:$0x5580] =	vst v63  }
0x171: {  	s25 =	sadd.s32 $0x2980, s20  }
0x172: {  	[spmem:s3] =	stream.indirect.scatter.add.f32 [tilespmem:s13], [sflag:$0x2], $0x1, s25, s16, $0xb8;
	[tilespmem:$0x5580] =	vst v63  }
0x173: {  	s26 =	sadd.s32 $0x200, s20  }
0x174: {  	[spmem:s1] =	stream.indirect.scatter.add.f32 [tilespmem:s13], [sflag:$0x1], $0x1, s26, s16, $0xb8;
	[tilespmem:$0x5580] =	vst v63  }
0x175: {  	s28 =	sadd.s32 $0x2A00, s20  }
0x176: {  	[spmem:s3] =	stream.indirect.scatter.add.f32 [tilespmem:s13], [sflag:$0x2], $0x1, s28, s16, $0xb8;
	[tilespmem:$0x5580] =	vst v63  }
0x177: {  	s29 =	sadd.s32 $0x280, s20  }
0x178: {  	[spmem:s1] =	stream.indirect.scatter.add.f32 [tilespmem:s13], [sflag:$0x1], $0x1, s29, s16, $0xb8;
	[tilespmem:$0x5580] =	vst v63  }
0x179: {  	s30 =	sadd.s32 $0x2A80, s20  }
0x17a: {  	[spmem:s3] =	stream.indirect.scatter.add.f32 [tilespmem:s13], [sflag:$0x2], $0x1, s30, s16, $0xb8;
	[tilespmem:$0x5580] =	vst v63  }
0x17b: {  	s31 =	sadd.s32 $0x300, s20  }
0x17c: {  	[spmem:s1] =	stream.indirect.scatter.add.f32 [tilespmem:s13], [sflag:$0x1], $0x1, s31, s16, $0xb8;
	[tilespmem:$0x5580] =	vst v63  }
0x17d: {  	s22 =	sadd.s32 $0x2B00, s20  }
0x17e: {  	[spmem:s3] =	stream.indirect.scatter.add.f32 [tilespmem:s13], [sflag:$0x2], $0x1, s22, s16, $0xb8;
	[tilespmem:$0x5580] =	vst v63  }
0x17f: {  	s23 =	sadd.s32 $0x380, s20  }
0x180: {  	[spmem:s1] =	stream.indirect.scatter.add.f32 [tilespmem:s13], [sflag:$0x1], $0x1, s23, s16, $0xb8;
	[tilespmem:$0x5580] =	vst v63  }
0x181: {  	s24 =	sadd.s32 $0x2B80, s20  }
0x182: {  	[spmem:s3] =	stream.indirect.scatter.add.f32 [tilespmem:s13], [sflag:$0x2], $0x1, s24, s16, $0xb8;
	[tilespmem:$0x5580] =	vst v63  }
0x183: {  	s25 =	sadd.s32 $0x400, s20  }
0x184: {  	[spmem:s1] =	stream.indirect.scatter.add.f32 [tilespmem:s13], [sflag:$0x1], $0x1, s25, s16, $0xb8;
	[tilespmem:$0x5580] =	vst v63  }
0x185: {  	s26 =	sadd.s32 $0x2C00, s20  }
0x186: {  	[spmem:s3] =	stream.indirect.scatter.add.f32 [tilespmem:s13], [sflag:$0x2], $0x1, s26, s16, $0xb8;
	[tilespmem:$0x5580] =	vst v63  }
0x187: {  	s28 =	sadd.s32 $0x480, s20  }
0x188: {  	[spmem:s1] =	stream.indirect.scatter.add.f32 [tilespmem:s13], [sflag:$0x1], $0x1, s28, s16, $0xb8;
	[tilespmem:$0x5580] =	vst v63  }
0x189: {  	s29 =	sadd.s32 $0x2C80, s20  }
0x18a: {  	[spmem:s3] =	stream.indirect.scatter.add.f32 [tilespmem:s13], [sflag:$0x2], $0x1, s29, s16, $0xb8;
	[tilespmem:$0x5580] =	vst v63  }
0x18b: {  	s30 =	sadd.s32 $0x500, s20  }
0x18c: {  	[spmem:s1] =	stream.indirect.scatter.add.f32 [tilespmem:s13], [sflag:$0x1], $0x1, s30, s16, $0xb8;
	[tilespmem:$0x5580] =	vst v63  }
0x18d: {  	s31 =	sadd.s32 $0x2D00, s20  }
0x18e: {  	[spmem:s3] =	stream.indirect.scatter.add.f32 [tilespmem:s13], [sflag:$0x2], $0x1, s31, s16, $0xb8;
	[tilespmem:$0x5580] =	vst v63  }
0x18f: {  	s22 =	sadd.s32 $0x580, s20  }
0x190: {  	[spmem:s1] =	stream.indirect.scatter.add.f32 [tilespmem:s13], [sflag:$0x1], $0x1, s22, s16, $0xb8;
	[tilespmem:$0x5580] =	vst v63  }
0x191: {  	s23 =	sadd.s32 $0x2D80, s20  }
0x192: {  	[spmem:s3] =	stream.indirect.scatter.add.f32 [tilespmem:s13], [sflag:$0x2], $0x1, s23, s16, $0xb8;
	[tilespmem:$0x5580] =	vst v63  }
0x193: {  	s24 =	sadd.s32 $0x600, s20  }
0x194: {  	[spmem:s1] =	stream.indirect.scatter.add.f32 [tilespmem:s13], [sflag:$0x1], $0x1, s24, s16, $0xb8;
	[tilespmem:$0x5580] =	vst v63  }
0x195: {  	s25 =	sadd.s32 $0x2E00, s20  }
0x196: {  	[spmem:s3] =	stream.indirect.scatter.add.f32 [tilespmem:s13], [sflag:$0x2], $0x1, s25, s16, $0xb8;
	[tilespmem:$0x5580] =	vst v63  }
0x197: {  	s26 =	sadd.s32 $0x680, s20  }
0x198: {  	[spmem:s1] =	stream.indirect.scatter.add.f32 [tilespmem:s13], [sflag:$0x1], $0x1, s26, s16, $0xb8;
	[tilespmem:$0x5580] =	vst v63  }
0x199: {  	s28 =	sadd.s32 $0x2E80, s20  }
0x19a: {  	[spmem:s3] =	stream.indirect.scatter.add.f32 [tilespmem:s13], [sflag:$0x2], $0x1, s28, s16, $0xb8;
	[tilespmem:$0x5580] =	vst v63  }
0x19b: {  	s29 =	sadd.s32 $0x700, s20  }
0x19c: {  	[spmem:s1] =	stream.indirect.scatter.add.f32 [tilespmem:s13], [sflag:$0x1], $0x1, s29, s16, $0xb8;
	[tilespmem:$0x5580] =	vst v63  }
0x19d: {  	s30 =	sadd.s32 $0x2F00, s20  }
0x19e: {  	[spmem:s3] =	stream.indirect.scatter.add.f32 [tilespmem:s13], [sflag:$0x2], $0x1, s30, s16, $0xb8;
	[tilespmem:$0x5580] =	vst v63  }
0x19f: {  	s31 =	sadd.s32 $0x780, s20  }
0x1a0: {  	[spmem:s1] =	stream.indirect.scatter.add.f32 [tilespmem:s13], [sflag:$0x1], $0x1, s31, s16, $0xb8;
	[tilespmem:$0x5580] =	vst v63  }
0x1a1: {  	s20 =	sadd.s32 $0x2F80, s20  }
0x1a2: {  	[spmem:s3] =	stream.indirect.scatter.add.f32 [tilespmem:s13], [sflag:$0x2], $0x1, s20, s16, $0xb8;
	[tilespmem:$0x5580] =	vst v63  }
0x1a3: {  	_ =	swait.ge [sflag:s17], $0x80  }
0x1a4: {  	[sflag:s17] =	ssyncset.done $0x0  }
0x1a5: {  	[sflag:s17] =	ssyncadd.s32 $0xFFFFFF80  }
0x1a6: {  	_ =	swait.ge [sflag:s18], $0x80  }
0x1a7: {  	[sflag:s18] =	ssyncset.done $0x0  }
0x1a8: {  	[sflag:s18] =	ssyncadd.s32 $0xFFFFFF80  }
0x1a9: {  	_ =	swait.ge [sflag:s17], $0x80  }
0x1aa: {  	[sflag:s17] =	ssyncset.done $0x0  }
0x1ab: {  	[sflag:s17] =	ssyncadd.s32 $0xFFFFFF80  }
0x1ac: {  	_ =	swait.ge [sflag:s18], $0x80  }
0x1ad: {  	[sflag:s18] =	ssyncset.done $0x0  }
0x1ae: {  	[sflag:s18] =	ssyncadd.s32 $0xFFFFFF80  }
0x1af: {  	_ =	swait.ge [sflag:s17], $0x80  }
0x1b0: {  	[sflag:s17] =	ssyncset.done $0x0  }
0x1b1: {  	[sflag:s17] =	ssyncadd.s32 $0xFFFFFF80  }
0x1b2: {  	_ =	swait.ge [sflag:s18], $0x80  }
0x1b3: {  	[sflag:s18] =	ssyncset.done $0x0  }
0x1b4: {  	[sflag:s18] =	ssyncadd.s32 $0xFFFFFF80  }
0x1b5: {  	_ =	swait.ge [sflag:s17], $0x80  }
0x1b6: {  	[sflag:s17] =	ssyncset.done $0x0  }
0x1b7: {  	[sflag:s17] =	ssyncadd.s32 $0xFFFFFF80  }
0x1b8: {  	_ =	swait.ge [sflag:s18], $0x80  }
0x1b9: {  	[sflag:s18] =	ssyncset.done $0x0  }
0x1ba: {  	[sflag:s18] =	ssyncadd.s32 $0xFFFFFF80  }
0x1bb: {  	_ =	swait.ge [sflag:s17], $0x80  }
0x1bc: {  	[sflag:s17] =	ssyncset.done $0x0  }
0x1bd: {  	[sflag:s17] =	ssyncadd.s32 $0xFFFFFF80  }
0x1be: {  	_ =	swait.ge [sflag:s18], $0x80  }
0x1bf: {  	[sflag:s18] =	ssyncset.done $0x0  }
0x1c0: {  	[sflag:s18] =	ssyncadd.s32 $0xFFFFFF80  }
0x1c1: {  	_ =	swait.ge [sflag:s17], $0x80  }
0x1c2: {  	[sflag:s17] =	ssyncset.done $0x0  }
0x1c3: {  	[sflag:s17] =	ssyncadd.s32 $0xFFFFFF80  }
0x1c4: {  	_ =	swait.ge [sflag:s18], $0x80  }
0x1c5: {  	[sflag:s18] =	ssyncset.done $0x0  }
0x1c6: {  	[sflag:s18] =	ssyncadd.s32 $0xFFFFFF80  }
0x1c7: {  	_ =	swait.ge [sflag:s17], $0x80  }
0x1c8: {  	[sflag:s17] =	ssyncset.done $0x0  }
0x1c9: {  	[sflag:s17] =	ssyncadd.s32 $0xFFFFFF80  }
0x1ca: {  	_ =	swait.ge [sflag:s18], $0x80  }
0x1cb: {  	[sflag:s18] =	ssyncset.done $0x0  }
0x1cc: {  	[sflag:s18] =	ssyncadd.s32 $0xFFFFFF80  }
0x1cd: {  	_ =	swait.ge [sflag:s17], $0x80  }
0x1ce: {  	[sflag:s17] =	ssyncset.done $0x0  }
0x1cf: {  	[sflag:s17] =	ssyncadd.s32 $0xFFFFFF80  }
0x1d0: {  	_ =	swait.ge [sflag:s18], $0x80  }
0x1d1: {  	[sflag:s18] =	ssyncset.done $0x0  }
0x1d2: {  	[sflag:s18] =	ssyncadd.s32 $0xFFFFFF80  }
0x1d3: {  	_ =	swait.ge [sflag:s17], $0x80  }
0x1d4: {  	[sflag:s17] =	ssyncset.done $0x0  }
0x1d5: {  	[sflag:s17] =	ssyncadd.s32 $0xFFFFFF80  }
0x1d6: {  	_ =	swait.ge [sflag:s18], $0x80  }
0x1d7: {  	[sflag:s18] =	ssyncset.done $0x0  }
0x1d8: {  	[sflag:s18] =	ssyncadd.s32 $0xFFFFFF80  }
0x1d9: {  	_ =	swait.ge [sflag:s17], $0x80  }
0x1da: {  	[sflag:s17] =	ssyncset.done $0x0  }
0x1db: {  	[sflag:s17] =	ssyncadd.s32 $0xFFFFFF80  }
0x1dc: {  	_ =	swait.ge [sflag:s18], $0x80  }
0x1dd: {  	[sflag:s18] =	ssyncset.done $0x0  }
0x1de: {  	[sflag:s18] =	ssyncadd.s32 $0xFFFFFF80  }
0x1df: {  	_ =	swait.ge [sflag:s17], $0x80  }
0x1e0: {  	[sflag:s17] =	ssyncset.done $0x0  }
0x1e1: {  	[sflag:s17] =	ssyncadd.s32 $0xFFFFFF80  }
0x1e2: {  	_ =	swait.ge [sflag:s18], $0x80  }
0x1e3: {  	[sflag:s18] =	ssyncset.done $0x0  }
0x1e4: {  	[sflag:s18] =	ssyncadd.s32 $0xFFFFFF80  }
0x1e5: {  	_ =	swait.ge [sflag:s17], $0x80  }
0x1e6: {  	[sflag:s17] =	ssyncset.done $0x0  }
0x1e7: {  	[sflag:s17] =	ssyncadd.s32 $0xFFFFFF80  }
0x1e8: {  	_ =	swait.ge [sflag:s18], $0x80  }
0x1e9: {  	[sflag:s18] =	ssyncset.done $0x0  }
0x1ea: {  	[sflag:s18] =	ssyncadd.s32 $0xFFFFFF80  }
0x1eb: {  	_ =	swait.ge [sflag:s17], $0x80  }
0x1ec: {  	[sflag:s17] =	ssyncset.done $0x0  }
0x1ed: {  	[sflag:s17] =	ssyncadd.s32 $0xFFFFFF80  }
0x1ee: {  	_ =	swait.ge [sflag:s18], $0x80  }
0x1ef: {  	[sflag:s18] =	ssyncset.done $0x0  }
0x1f0: {  	[sflag:s18] =	ssyncadd.s32 $0xFFFFFF80  }
0x1f1: {  	_ =	swait.ge [sflag:s17], $0x80  }
0x1f2: {  	[sflag:s17] =	ssyncset.done $0x0  }
0x1f3: {  	[sflag:s17] =	ssyncadd.s32 $0xFFFFFF80  }
0x1f4: {  	_ =	swait.ge [sflag:s18], $0x80  }
0x1f5: {  	[sflag:s18] =	ssyncset.done $0x0  }
0x1f6: {  	[sflag:s18] =	ssyncadd.s32 $0xFFFFFF80  }
0x1f7: {  	_ =	swait.ge [sflag:s17], $0x80  }
0x1f8: {  	[sflag:s17] =	ssyncset.done $0x0  }
0x1f9: {  	[sflag:s17] =	ssyncadd.s32 $0xFFFFFF80  }
0x1fa: {  	_ =	swait.ge [sflag:s18], $0x80  }
0x1fb: {  	[sflag:s18] =	ssyncset.done $0x0  }
0x1fc: {  	[sflag:s18] =	ssyncadd.s32 $0xFFFFFF80  }
0x1fd: {  	_ =	swait.ge [sflag:s17], $0x80  }
0x1fe: {  	[sflag:s17] =	ssyncset.done $0x0  }
0x1ff: {  	[sflag:s17] =	ssyncadd.s32 $0xFFFFFF80  }
0x200: {  	_ =	swait.ge [sflag:s18], $0x80  }
0x201: {  	s21 =	simm.s32 @!p0 $0x20;
	[sflag:s18] =	ssyncset.done $0x0  }
0x202: {  	s22 =	simm.s32 @!p0 $0x10;
	s23 =	simm.s32 @!p0 $0x1C03;
	[sflag:s18] =	ssyncadd.s32 $0xFFFFFF80  }
0x203: {  	s24 =	simm.s32 @!p0 $0x3;
	s20 =	simm.s32 @!p0 $0x1;
	[bflag:$0x0] =	sbarrier.arrive $0xFFFF  }
0x204: {  	[hbm:s8@s21], [sflag:s23] =	dma.strided @!p0 [spmem:s14@s22], $0x500, s20, $0x10   }
0x205: {  	s19 =	sadd.s32 $0x1, s19;
	_ =	swait.ge @!p0 [sflag:s24], $0x500  }
0x206: {  	p1 =	sne.s32 s19, s10;
	[sflag:s24] =	ssyncset.done @!p0 $0x0  }
.Ltmp1:
0x207: {  	[sflag:s24] =	ssyncadd.s32 @!p0 $0xFFFFFB00;
	(pc) =	sbr.rel @p1 .LBB2_1-.Ltmp1, $4  }
0x208: {  	[hbm:s9@s21], [sflag:s23] =	dma.strided @!p0 [spmem:s15@s22], $0x500, s20, $0x10   }
0x209: {  	_ =	swait.ge @!p0 [sflag:s24], $0x500  }
0x20a: {  	[sflag:s24] =	ssyncset.done @!p0 $0x0  }
0x20b: {  	[sflag:s24] =	ssyncadd.s32 @!p0 $0xFFFFFB00  }
0x20c: {  	_ =	sfence.sel $0x180000  }
0x20d: {  	[bflag:$0x0] =	sbarrier.arrive $0xFFFF  }
0x20e: {  	_ =	strace $0x90000047  }
0x20f: {  	s0 =	sadd.s32 @!p0 $0x100000, s2;
	[bflag:$0x2] =	sbarrier.arrive $0xFFFF  }
0x210: {  	[sflag:s0] =	ssyncadd.tile.s32 @!p0 $0x1;
	_ =	shalt  }
.Lfunc_end2:
_tile_overlayer_lowered:
.L_overlay_start_2:
0x211: {  	(tag) =	ssettag $0x2  }
0x212: {  	s0 =	rddreg [dreg:$0x0];
	s2 =	stileid.u32  }
0x213: {  	s1 =	rddreg [dreg:$0x1];
	p0 =	sne.s32 s2, $0x0  }
0x214: {  	s3 =	rddreg [dreg:$0x2];
	[bflag:$0x3] =	sbarrier.arrive $0xFFFF;
	s2 =	simm.s32 @!p0 $0x1C03  }
0x215: {  	[timem:s3], [sflag:s2] =	dma.local @!p0 [hbm:s0], s1  }
0x216: {  	s0 =	simm.s32 @!p0 $0x3  }
0x217: {  	_ =	swait.ge @!p0 [sflag:s0], s1  }
0x218: {  	s1 =	ssub.s32 @!p0 $0x0, s1;
	[sflag:s0] =	ssyncset.done @!p0 $0x0  }
0x219: {  	[sflag:s0] =	ssyncadd.s32 @!p0 s1  }
0x21a: {  	[bflag:$0x3] =	sbarrier.arrive $0xFFFF  }
0x21b: {  	_ =	shalt  }

// kernel: kernel.9.cloned.1.call-start
scs
__scs_entry_jumppad:
0x0: {  	(pc) =	sbr.rel $0x88, $3  }
0x1: {  	(tag) =	ssettag $0x0;
	lr =	simm.s32 $0x1  }
0x2: {  	[smem:$0x3F99] =	sst lr;
	_ =	strace $0xD0000000  }
0x3: {  	_ = 	snop  }
0x4: {  	_ = 	snop  }
0x5: {  	_ = 	snop  }
0x6: {  	_ = 	snop  }
0x7: {  	_ = 	snop  }
__scs_overlays_trampoline_lowered:
0x8: {  	[smem:$0x3FA8] =	sst s0  }
0x9: {  	[smem:$0x3FA9] =	sst s1  }
0xa: {  	[smem:$0x3FAA] =	sst s2  }
0xb: {  	[smem:$0x3FAB] =	sst s3  }
0xc: {  	[smem:$0x3FAC] =	sst s4  }
0xd: {  	[smem:$0x3FAD] =	sst s5  }
0xe: {  	[smem:$0x3FAE] =	sst s6  }
0xf: {  	[smem:$0x3FAF] =	sst s7  }
0x10: {  	[smem:$0x3FB0] =	sst s8  }
0x11: {  	[smem:$0x3FB1] =	sst s9;
	s0 =	simm.s32 @!p0 $0x0  }
0x12: {  	s1 =	sld [smem:$0x3F97];
	s0 =	simm.s32 @p0 $0x1  }
0x13: {  	[smem:$0x3FB2] =	sst s0;
	s0 =	simm.s32 @!p1 $0x0  }
0x14: {  	s2 =	sld [smem:$0x3F96];
	s0 =	simm.s32 @p1 $0x1  }
0x15: {  	[smem:$0x3FB3] =	sst s0;
	s0 =	simm.s32 @!p2 $0x0  }
0x16: {  	s3 =	sld [smem:$0x3FDB];
	s0 =	simm.s32 @p2 $0x1  }
0x17: {  	s4 =	simm.s32 $0x1BF5;
	[smem:$0x3FB5] =	sst s0  }
0x18: {  	s0 =	sld [smem:$0x3F98];
	_ =	swait.ge [sflag:s4], $0x0  }
0x19: {  	s7 =	sld [smem:$0x3F99]  }
0x1a: {  	s8 =	sadd.s32 $0xFFFFE003, lr  }
0x1b: {  	s9 =	sadd.s32 $0xFFFFFEF7, lr;
	s5 =	simm.s32 $0xFFFFFFFF;
	p2 =	slt.u32 s8, $0xFFFFF086  }
0x1c: {  	p1 =	slt.u32 s9, $0xF7A;
	s5 =	simm.s32 @!p2 $0x0  }
0x1d: {  	s5 =	simm.s32 @p1 $0x1;
	p0 =	seq.s32 s7, s2  }
0x1e: {  	s7 =	smul.u32 @!p0 $0xF7A, s2;
	p2 =	seq.s32 @!p0 s5, $0x0  }
0x1f: {  	s9 =	smul.u32 $0xF7A, s1;
	s8 =	simm.s32 @!p0 $0x1BF5;
	p2 =	por !p2, p0  }
0x20: {  	[sflag:s8] =	ssyncset.s32 @!p0 $0xFFFFF086;
	s6 =	sadd.s32 @!p0 s3, s7;
	s7 =	simm.s32 @!p0 $0x108  }
0x21: {  	s3 =	sadd.s32 s3, s9;
	s6 =	sadd.s32 @!p0 $0x88, s6;
	s7 =	simm.s32 @p2 $0x1082  }
0x22: {  	[simem:s7], [sflag:s8] =	dma.local @!p0 [hbm:s6], $0xF7A  }
0x23: {  	s9 =	sor.u32 $0xD0000000, s2;
	s6 =	simm.s32 $0x108;
	_ =	swait.ge @!p0 [sflag:s8], $0x0  }
0x24: {  	s3 =	sadd.s32 $0x88, s3;
	s6 =	simm.s32 @!p1 $0x1082;
	[sflag:s4] =	ssyncset.s32 $0xFFFFF086  }
0x25: {  	[simem:s6], [sflag:s4] =	dma.local [hbm:s3], $0xF7A  }
0x26: {  	[smem:$0x3F99] =	sst s1;
	(tag) =	ssettag s2;
	_ =	strace s9  }
0x27: {  	s1 =	sld [smem:$0x3FA9]  }
0x28: {  	s2 =	sld [smem:$0x3FAA]  }
0x29: {  	s4 =	sld [smem:$0x3FAC]  }
0x2a: {  	p0 =	seq.s32 s5, $0x0;
	s5 =	sld [smem:$0x3FAD]  }
0x2b: {  	s6 =	sld [smem:$0x3FAE]  }
0x2c: {  	s7 =	sld [smem:$0x3FAF]  }
0x2d: {  	s3 =	simm.s32 $0x108;
	s8 =	sld [smem:$0x3FB0]  }
0x2e: {  	s3 =	simm.s32 @!p0 $0x1082;
	s9 =	sld [smem:$0x3FB1]  }
0x2f: {  	lr =	sadd.s32 s0, s3;
	s0 =	sld [smem:$0x3FA8]  }
0x30: {  	s3 =	sld [smem:$0x3FAB]  }
0x31: {  	[smem:$0x3FB4] =	sst s10  }
0x32: {  	s10 =	sld [smem:$0x3FB2];
	_ =	sdelay $0x3  }
0x33: {  	p0 =	seq.s32 s10, $0x1;
	s10 =	sld [smem:$0x3FB4];
	_ =	sdelay $0x3  }
0x34: {  	[smem:$0x3FB4] =	sst s10  }
0x35: {  	s10 =	sld [smem:$0x3FB3];
	_ =	sdelay $0x3  }
0x36: {  	p1 =	seq.s32 s10, $0x1;
	s10 =	sld [smem:$0x3FB4];
	_ =	sdelay $0x3  }
0x37: {  	[smem:$0x3FB4] =	sst s10  }
0x38: {  	s10 =	sld [smem:$0x3FB5]  }
0x39: {  	_ = 	snop;
	(pc) =	sbr.ind lr, $3  }
0x3a: {  	_ = 	snop  }
0x3b: {  	_ = 	snop  }
0x3c: {  	p2 =	seq.s32 s10, $0x1;
	s10 =	sld [smem:$0x3FB4]  }
0x3d: {  	_ =	shalt  }
0x3e: {  	_ =	shalt  }
0x3f: {  	_ =	shalt  }
0x40: {  	_ =	shalt  }
0x41: {  	_ =	shalt  }
0x42: {  	_ =	shalt  }
0x43: {  	_ =	shalt  }
0x44: {  	_ =	shalt  }
0x45: {  	_ =	shalt  }
0x46: {  	_ =	shalt  }
0x47: {  	_ =	shalt  }
0x48: {  	_ =	shalt  }
0x49: {  	_ =	shalt  }
0x4a: {  	_ =	shalt  }
0x4b: {  	_ =	shalt  }
0x4c: {  	_ =	shalt  }
0x4d: {  	_ =	shalt  }
0x4e: {  	_ =	shalt  }
0x4f: {  	_ =	shalt  }
0x50: {  	_ =	shalt  }
0x51: {  	_ =	shalt  }
0x52: {  	_ =	shalt  }
0x53: {  	_ =	shalt  }
0x54: {  	_ =	shalt  }
0x55: {  	_ =	shalt  }
0x56: {  	_ =	shalt  }
0x57: {  	_ =	shalt  }
0x58: {  	_ =	shalt  }
0x59: {  	_ =	shalt  }
0x5a: {  	_ =	shalt  }
0x5b: {  	_ =	shalt  }
0x5c: {  	_ =	shalt  }
0x5d: {  	_ =	shalt  }
0x5e: {  	_ =	shalt  }
0x5f: {  	_ =	shalt  }
0x60: {  	_ =	shalt  }
0x61: {  	_ =	shalt  }
0x62: {  	_ =	shalt  }
0x63: {  	_ =	shalt  }
0x64: {  	_ =	shalt  }
0x65: {  	_ =	shalt  }
0x66: {  	_ =	shalt  }
0x67: {  	_ =	shalt  }
0x68: {  	_ =	shalt  }
0x69: {  	_ =	shalt  }
0x6a: {  	_ =	shalt  }
0x6b: {  	_ =	shalt  }
0x6c: {  	_ =	shalt  }
0x6d: {  	_ =	shalt  }
0x6e: {  	_ =	shalt  }
0x6f: {  	_ =	shalt  }
0x70: {  	_ =	shalt  }
0x71: {  	_ =	shalt  }
0x72: {  	_ =	shalt  }
0x73: {  	_ =	shalt  }
0x74: {  	_ =	shalt  }
0x75: {  	_ =	shalt  }
0x76: {  	_ =	shalt  }
0x77: {  	_ =	shalt  }
0x78: {  	_ =	shalt  }
0x79: {  	_ =	shalt  }
0x7a: {  	_ =	shalt  }
0x7b: {  	_ =	shalt  }
0x7c: {  	_ =	shalt  }
0x7d: {  	_ =	shalt  }
0x7e: {  	_ =	shalt  }
0x7f: {  	_ =	shalt  }
0x80: {  	_ =	shalt  }
0x81: {  	_ =	shalt  }
0x82: {  	_ =	shalt  }
0x83: {  	_ =	shalt  }
0x84: {  	_ =	shalt  }
0x85: {  	_ =	shalt  }
0x86: {  	_ =	shalt  }
0x87: {  	_ =	shalt  }
.Lfunc_end0:
.L_simem_size_0:
called_computation.1_lowered:
.L_overlay_start_0:
0x88: {  	s2 =	sld [smem:$0x3FD9]  }
0x89: {  	s3 =	sld [smem:$0x3FFE];
	_ =	sdelay $0x1  }
0x8a: {  	s1 =	srdreg.scid  }
0x8b: {  	s0 =	sand.u32 $0x1, s1  }
0x8c: {  	s14 =	sshll.u32 s0, $0xA;
	s2 =	sadd.s32 s3, s2  }
0x8d: {  	s2 =	sadd.s32 s2, s14  }
0x8e: {  	[smem:$0x3FC0] =	sst s2  }
0x8f: {  	_ = 	snop  }
0x90: {  	s2 =	sld [smem:$0x3FD0];
	_ =	sdelay $0x2  }
0x91: {  	s15 =	simm.s32 $0xA;
	s4 =	simm.s32 $0x10  }
0x92: {  	[smem:s4], [sflag:s15] =	dma.local [hbm:s2], $0x1  }
0x93: {  	_ =	swait.eq [sflag:s15], $0x1  }
0x94: {  	[sflag:s15] =	ssyncset.done $0x0  }
0x95: {  	[sflag:s15] =	ssyncadd.s32 $0xFFFFFFFF  }
0x96: {  	s16 =	sld [smem:$0x10];
	(tm) =	ssettm $0x1  }
0x97: {  	s17 =	sld [smem:$0x3FFB];
	_ =	sdelay $0x3  }
0x98: {  	_ =	strace s17  }
0x99: {  	s3 =	sld [smem:$0x3FFC];
	_ =	sdelay $0x3  }
0x9a: {  	_ =	strace s3  }
0x9b: {  	s3 =	sld [smem:$0x3FFD];
	_ =	sdelay $0x3  }
0x9c: {  	_ =	strace s3  }
0x9d: {  	_ =	strace $0x8FFFFFFF  }
0x9e: {  	s18 =	sld [smem:$0x3FDB];
	_ =	sdelay $0x1  }
0x9f: {  	s19 =	simm.s32 $_scs_section_size  }
0xa0: {  	s5 =	simm.s32 $_size__tile_overlayer_lowered;
	s6 =	simm.s32 $_tile_overlayer_lowered  }
0xa1: {  	s22 =	simm.s32 $0x1BFF;
	s21 =	sshll.u32 s6, $0x1;
	s3 =	sadd.s32 s19, s18  }
0xa2: {  	s7 =	simm.s32 $0x0;
	s20 =	sshll.u32 s5, $0x1;
	s5 =	sadd.s32 s21, s3  }
0xa3: {  	[timem:s7], [sflag:s22] =	dma.local [hbm:s5], s20  }
0xa4: {  	_ =	swait.ge [sflag:s22], s20  }
0xa5: {  	s4 =	ssub.s32 $0x0, s20;
	[sflag:s22] =	ssyncset.done $0x0  }
0xa6: {  	[sflag:s22] =	ssyncadd.s32 s4;
	_ =	sdelay $0x1  }
0xa7: {  	s23 =	simm.s32 $0x1B8B  }
0xa8: {  	_ =	swait.ge [sflag:s23], $0x1  }
0xa9: {  	[sflag:s23] =	ssyncset.done $0x0  }
0xaa: {  	s25 =	simm.s32 $0x1B8E;
	s24 =	sld [smem:$0x3FFE];
	[sflag:s23] =	ssyncadd.s32 $0xFFFFFFFF  }
0xab: {  	s26 =	simm.s32 $execute0_lowered;
	[smem:$0x3FD2] =	sst s25  }
0xac: {  	s5 =	sshll.u32 s26, $0x1;
	_ =	strace $0x80000049;
	[dreg:$0x1] =	wrdreg $0xFFFFFFFF  }
0xad: {  	s28 =	simm.s32 $_size_execute0_lowered;
	s3 =	sadd.s32 s3, s5;
	[dreg:$0x0] =	wrdreg $0x0  }
0xae: {  	s5 =	sshll.u32 s28, $0x1;
	[dreg:$0x2] =	wrdreg s3  }
0xaf: {  	[dreg:$0x3] =	wrdreg s5  }
0xb0: {  	[dreg:$0x4] =	wrdreg $0xC0  }
0xb1: {  	_ =	task [dreg:s7], $0x5FFFF  }
0xb2: {  	[dreg:$0x1] =	wrdreg $0xFFFFFFFF  }
0xb3: {  	[dreg:$0x0] =	wrdreg $0x60  }
0xb4: {  	[dreg:$0x2] =	wrdreg s24  }
0xb5: {  	[dreg:$0x3] =	wrdreg s16  }
0xb6: {  	[dreg:$0x4] =	wrdreg $0xA8000  }
0xb7: {  	[dreg:$0x5] =	wrdreg $0x9  }
0xb8: {  	_ =	task.clear_ibuf [dreg:s7], $0x6FFFF;
	_ =	strace $0x90000049  }
0xb9: {  	s29 =	simm.s32 $0x9;
	_ =	strace $0x8000004B  }
0xba: {  	_ =	swait.ge [sflag:s29], $0x1  }
0xbb: {  	[sflag:s29] =	ssyncadd.s32 $0xFFFFFFFF  }
0xbc: {  	_ =	strace $0x9000004B  }
0xbd: {  	_ =	sfence  }
0xbe: {  	s30 =	sld [smem:$0x0];
	_ =	sdelay $0x2  }
0xbf: {  	s31 =	sshll.u32 s1, $0xD;
	s1 =	sshrl.u32 s1, $0x2  }
0xc0: {  	s3 =	sand.u32 $0x4000, s31;
	s1 =	sadd.s32 s1, s30  }
0xc1: {  	s0 =	sor.u32 s3, s0;
	s1 =	sshll.u32 s1, $0x11  }
0xc2: {  	s0 =	sor.u32 s1, s0  }
0xc3: {  	s0 =	sadd.s32 $0x8F2B, s0  }
0xc4: {  	[sflag:s0] =	ssyncadd.remote.s32 $0x1  }
0xc5: {  	_ =	sfence.sel $0xFFFF  }
0xc6: {  	[dreg:$0x0] =	wrdreg $0xFFFFFFFF;
	(pc) =	sbr.abs _section_cstart, $3  }
0xc7: {  	[dreg:$0x1] =	wrdreg $0xFFFFFFFF  }
0xc8: {  	_ =	task.clear_ibuf [dreg:s7], $0x2FFFF;
	_ =	strace $0x9FFFFFFF  }
0xc9: {  	(tm) =	ssettm $0x7FFFFFFF  }
tec
execute0_lowered:
.L_overlay_start_1:
0x0: {  	(tag) =	ssettag $0x1  }
0x1: {  	s6 =	rddreg [dreg:$0x0]  }
0x2: {  	s12 =	rddreg [dreg:$0x1]  }
0x3: {  	s1 =	rddreg [dreg:$0x2]  }
0x4: {  	s2 =	srdreg.scid;
	s0 =	rddreg [dreg:$0x3];
	s3 =	simm.s32 $0x0  }
0x5: {  	s16 =	simm.s32 $0x80;
	s17 =	simm.s32 $0x2800;
	s18 =	simm.s32 $0x6800  }
0x6: {  	s19 =	simm.s32 $0x1;
	s20 =	simm.s32 $0x2;
	s21 =	simm.s32 $0x1380  }
0x7: {  	s22 =	simm.s32 $0x2700;
	s23 =	simm.s32 $0x2780;
	s24 =	simm.s32 $0x0  }
0x8: {  	s7 =	sand.u32 $0x1, s2;
	s2 =	stileid.u32;
	[smem:$0x7FF] =	sst s3  }
0x9: {  	s4 =	sadd.s32 $0xC000, s6;
	s11 =	sadd.s32 $0x2000, s6;
	s5 =	smul.u32 $0x140000, s7  }
0xa: {  	s8 =	smul.u32 $0x14000, s2;
	_ =	strace $0x8000004A;
	s9 =	ssub.s32 $0x2, s7  }
0xb: {  	s13 =	smul.u32 $0x50000, s2;
	s7 =	sshll.u32 s7, $0x4;
	s30 =	sshll.u32 s2, $0x6  }
0xc: {  	s10 =	sshrl.u32 s9, $0x1;
	s28 =	sor.u32 s2, s7;
	s8 =	sadd.s32 s8, s5  }
0xd: {  	s5 =	sadd.s32 $0x34000, s6;
	s29 =	sshrl.u32 s13, $0x2;
	s31 =	smul.u32 $0x500, s28  }
0xe: {  	s9 =	ssub.s32 s9, s10;
	s8 =	sshrl.u32 s8, $0x3;
	s14 =	sadd.s32 s29, s1  }
0xf: {  	s8 =	sadd.s32 s8, s6;
	s6 =	sor.u32 $0x1C03, s30;
	s15 =	sadd.s32 $0x280, s31  }
0x10: {  	s10 =	sadd.s32 s12, s31;
	s13 =	sshrl.u32 s14, $0x3;
	s14 =	simm.s32 $0x3  }
0x11: {  	s7 =	sadd.s32 $0x36800, s8;
	s8 =	smax.u32 s9, $0x1;
	s9 =	sadd.s32 s11, s31  }
0x12: {  	s11 =	sadd.s32 s11, s15;
	s12 =	sadd.s32 s12, s15;
	s15 =	simm.s32 $0x1400  }
.LBB2_1:
0x13: {  	[spmem:s13], [sflag:s6] =	dma.local [hbm:s5], $0x2800  }
0x14: {  	_ =	swait.ge [sflag:s14], $0x2800  }
0x15: {  	[sflag:s14] =	ssyncset.done $0x0  }
0x16: {  	[sflag:s14] =	ssyncadd.s32 $0xFFFFD800  }
0x17: {  	[bflag:$0x0] =	sbarrier.arrive $0xFFFF  }
0x18: {  	[tilespmem:s3], [sflag:$0x3] =	stream.linear.gather [hbm4b:s9+s3], $0x1400, $0x38;
	[tilespmem:$0x1E800] =	vst v63  }
0x19: {  	_ =	swait.ge [sflag:s14], $0x1400  }
0x1a: {  	[sflag:s14] =	ssyncset.done $0x0  }
0x1b: {  	[sflag:s14] =	ssyncadd.s32 $0xFFFFEC00  }
0x1c: {  	[tilespmem:s15], [sflag:$0x3] =	stream.linear.gather [hbm4b:s10+s3], $0x1400, $0x38;
	[tilespmem:$0x1E800] =	vst v63  }
0x1d: {  	_ =	swait.ge [sflag:s14], $0x1400  }
0x1e: {  	[sflag:s14] =	ssyncset.done $0x0  }
0x1f: {  	[sflag:s14] =	ssyncadd.s32 $0xFFFFEC00  }
0x20: {  	[tilespmem:s17], [sflag:$0x1] =	stream.indirect.gather [hbm4b:s4+s16], $0x80, s3, s16, $0xb8;
	[tilespmem:$0x1E800] =	vst v63  }
0x21: {  	s25 =	simm.s32 $0x80  }
0x22: {  	[tilespmem:s18], [sflag:$0x2] =	stream.indirect.gather [hbm4b:s4+s16], $0x80, s25, s16, $0xb8;
	[tilespmem:$0x1E800] =	vst v63  }
0x23: {  	_ =	swait.ge [sflag:s19], $0x4000  }
0x24: {  	[sflag:s19] =	ssyncset.done $0x0  }
0x25: {  	s29 =	simm.s32 $0x1400;
	[sflag:s19] =	ssyncadd.s32 $0xFFFFC000  }
0x26: {  	[spmem:s1] =	stream.indirect.scatter.add.f32 [tilespmem:s17], [sflag:$0x3], $0x80, s29, s16, $0xb8;
	[tilespmem:$0x1E800] =	vst v63  }
0x27: {  	_ =	swait.ge [sflag:s14], $0x4000  }
0x28: {  	[sflag:s14] =	ssyncset.done $0x0  }
0x29: {  	s30 =	simm.s32 $0x100;
	[sflag:s14] =	ssyncadd.s32 $0xFFFFC000  }
0x2a: {  	[tilespmem:s17], [sflag:$0x1] =	stream.indirect.gather [hbm4b:s4+s16], $0x80, s30, s16, $0xb8;
	[tilespmem:$0x1E800] =	vst v63  }
0x2b: {  	_ =	swait.ge [sflag:s20], $0x4000  }
0x2c: {  	[sflag:s20] =	ssyncset.done $0x0  }
0x2d: {  	s31 =	simm.s32 $0x1480;
	[sflag:s20] =	ssyncadd.s32 $0xFFFFC000  }
0x2e: {  	[spmem:s1] =	stream.indirect.scatter.add.f32 [tilespmem:s18], [sflag:$0x3], $0x80, s31, s16, $0xb8;
	[tilespmem:$0x1E800] =	vst v63  }
0x2f: {  	_ =	swait.ge [sflag:s14], $0x4000  }
0x30: {  	s26 =	simm.s32 $0x800;
	s25 =	simm.s32 $0x100;
	[sflag:s14] =	ssyncset.done $0x0  }
.LBB2_2:
0x31: {  	s28 =	sadd.s32 $0x80, s25  }
0x32: {  	[sflag:s14] =	ssyncadd.s32 $0xFFFFC000;
	s29 =	smov.u32 s26;
	s30 =	sadd.s32 $0x400, s26  }
0x33: {  	[tilespmem:s18], [sflag:$0x2] =	stream.indirect.gather [hbm4b:s4+s16], $0x80, s28, s16, $0xb8;
	[tilespmem:$0x1E800] =	vst v63  }
0x34: {  	p0 =	sne.s32 s26, $0x4800;
	_ =	swait.ge [sflag:s19], $0x4000  }
0x35: {  	[sflag:s19] =	ssyncset.done $0x0  }
0x36: {  	s26 =	sadd.s32 $0x1400, s25;
	[sflag:s19] =	ssyncadd.s32 $0xFFFFC000  }
0x37: {  	[spmem:s1] =	stream.indirect.scatter.add.f32 [tilespmem:s17], [sflag:$0x3], $0x80, s26, s16, $0xb8;
	[tilespmem:$0x1E800] =	vst v63  }
0x38: {  	_ =	swait.ge [sflag:s14], $0x4000  }
0x39: {  	[sflag:s14] =	ssyncset.done $0x0  }
0x3a: {  	s26 =	sadd.s32 $0x100, s25;
	[sflag:s14] =	ssyncadd.s32 $0xFFFFC000  }
0x3b: {  	[tilespmem:s17], [sflag:$0x1] =	stream.indirect.gather [hbm4b:s4+s16], $0x80, s26, s16, $0xb8;
	[tilespmem:$0x1E800] =	vst v63  }
0x3c: {  	_ =	swait.ge [sflag:s20], $0x4000  }
.Ltmp0:
0x3d: {  	[sflag:s20] =	ssyncset.done $0x0;
	(pc) =	sbr.rel @p0 .LBB2_2-.Ltmp0, $4  }
0x3e: {  	s25 =	sadd.s32 $0x1480, s25;
	[sflag:s20] =	ssyncadd.s32 $0xFFFFC000  }
0x3f: {  	[spmem:s1] =	stream.indirect.scatter.add.f32 [tilespmem:s18], [sflag:$0x3], $0x80, s25, s16, $0xb8;
	[tilespmem:$0x1E800] =	vst v63  }
0x40: {  	_ =	swait.ge [sflag:s14], $0x4000  }
0x41: {  	s26 =	smov.u32 s30;
	s25 =	sshra.s32 s29, $0x2;
	[sflag:s14] =	ssyncset.done $0x0  }
0x42: {  	s26 =	sadd.s32 $0x80, s25;
	[sflag:s14] =	ssyncadd.s32 $0xFFFFC000  }
0x43: {  	[tilespmem:s18], [sflag:$0x2] =	stream.indirect.gather [hbm4b:s4+s16], $0x80, s26, s16, $0xb8;
	[tilespmem:$0x1E800] =	vst v63  }
0x44: {  	_ =	swait.ge [sflag:s19], $0x4000  }
0x45: {  	[sflag:s19] =	ssyncset.done $0x0  }
0x46: {  	s29 =	sadd.s32 $0x1400, s25;
	[sflag:s19] =	ssyncadd.s32 $0xFFFFC000  }
0x47: {  	[spmem:s1] =	stream.indirect.scatter.add.f32 [tilespmem:s17], [sflag:$0x3], $0x80, s29, s16, $0xb8;
	[tilespmem:$0x1E800] =	vst v63  }
0x48: {  	_ =	swait.ge [sflag:s14], $0x4000  }
0x49: {  	[sflag:s14] =	ssyncset.done $0x0  }
0x4a: {  	s30 =	sadd.s32 $0x100, s25;
	[sflag:s14] =	ssyncadd.s32 $0xFFFFC000  }
0x4b: {  	[tilespmem:s17], [sflag:$0x1] =	stream.indirect.gather [hbm4b:s4+s16], $0x80, s30, s16, $0xb8;
	[tilespmem:$0x1E800] =	vst v63  }
0x4c: {  	_ =	swait.ge [sflag:s20], $0x4000  }
0x4d: {  	[sflag:s20] =	ssyncset.done $0x0  }
0x4e: {  	s31 =	sadd.s32 $0x1480, s25;
	[sflag:s20] =	ssyncadd.s32 $0xFFFFC000  }
0x4f: {  	[spmem:s1] =	stream.indirect.scatter.add.f32 [tilespmem:s18], [sflag:$0x3], $0x80, s31, s16, $0xb8;
	[tilespmem:$0x1E800] =	vst v63  }
0x50: {  	_ =	swait.ge [sflag:s14], $0x4000  }
0x51: {  	[sflag:s14] =	ssyncset.done $0x0  }
0x52: {  	[sflag:s14] =	ssyncadd.s32 $0xFFFFC000  }
0x53: {  	[tilespmem:s18], [sflag:$0x2] =	stream.indirect.gather [hbm4b:s4+s16], $0x80, s21, s16, $0xb8;
	[tilespmem:$0x1E800] =	vst v63  }
0x54: {  	_ =	swait.ge [sflag:s19], $0x4000  }
0x55: {  	[sflag:s19] =	ssyncset.done $0x0  }
0x56: {  	[sflag:s19] =	ssyncadd.s32 $0xFFFFC000  }
0x57: {  	[spmem:s1] =	stream.indirect.scatter.add.f32 [tilespmem:s17], [sflag:$0x3], $0x80, s22, s16, $0xb8;
	[tilespmem:$0x1E800] =	vst v63  }
0x58: {  	_ =	swait.ge [sflag:s14], $0x4000  }
0x59: {  	[sflag:s14] =	ssyncset.done $0x0  }
0x5a: {  	[sflag:s14] =	ssyncadd.s32 $0xFFFFC000  }
0x5b: {  	_ =	swait.ge [sflag:s20], $0x4000  }
0x5c: {  	[sflag:s20] =	ssyncset.done $0x0  }
0x5d: {  	[sflag:s20] =	ssyncadd.s32 $0xFFFFC000  }
0x5e: {  	[spmem:s1] =	stream.indirect.scatter.add.f32 [tilespmem:s18], [sflag:$0x3], $0x80, s23, s16, $0xb8;
	[tilespmem:$0x1E800] =	vst v63  }
0x5f: {  	_ =	swait.ge [sflag:s14], $0x4000  }
0x60: {  	[sflag:s14] =	ssyncset.done $0x0  }
0x61: {  	s26 =	simm.s32 $0x0;
	[sflag:s14] =	ssyncadd.s32 $0xFFFFC000  }
0x62: {  	[tilespmem:s26], [sflag:$0x3] =	stream.linear.gather [hbm4b:s11+s26], $0x1400, $0x38;
	[tilespmem:$0x1E800] =	vst v63  }
0x63: {  	_ =	swait.ge [sflag:s14], $0x1400  }
0x64: {  	[sflag:s14] =	ssyncset.done $0x0  }
0x65: {  	[sflag:s14] =	ssyncadd.s32 $0xFFFFEC00  }
0x66: {  	[tilespmem:s15], [sflag:$0x3] =	stream.linear.gather [hbm4b:s12+s26], $0x1400, $0x38;
	[tilespmem:$0x1E800] =	vst v63  }
0x67: {  	_ =	swait.ge [sflag:s14], $0x1400  }
0x68: {  	[sflag:s14] =	ssyncset.done $0x0  }
0x69: {  	[sflag:s14] =	ssyncadd.s32 $0xFFFFEC00  }
0x6a: {  	[tilespmem:s17], [sflag:$0x1] =	stream.indirect.gather [hbm4b:s4+s16], $0x80, s26, s16, $0xb8;
	[tilespmem:$0x1E800] =	vst v63  }
0x6b: {  	s28 =	simm.s32 $0x80  }
0x6c: {  	[tilespmem:s18], [sflag:$0x2] =	stream.indirect.gather [hbm4b:s4+s16], $0x80, s28, s16, $0xb8;
	[tilespmem:$0x1E800] =	vst v63  }
0x6d: {  	_ =	swait.ge [sflag:s19], $0x4000  }
0x6e: {  	[sflag:s19] =	ssyncset.done $0x0  }
0x6f: {  	s29 =	simm.s32 $0x1400;
	[sflag:s19] =	ssyncadd.s32 $0xFFFFC000  }
0x70: {  	[spmem:s1] =	stream.indirect.scatter.add.f32 [tilespmem:s17], [sflag:$0x3], $0x80, s29, s16, $0xb8;
	[tilespmem:$0x1E800] =	vst v63  }
0x71: {  	_ =	swait.ge [sflag:s14], $0x4000  }
0x72: {  	[sflag:s14] =	ssyncset.done $0x0  }
0x73: {  	s30 =	simm.s32 $0x100;
	[sflag:s14] =	ssyncadd.s32 $0xFFFFC000  }
0x74: {  	[tilespmem:s17], [sflag:$0x1] =	stream.indirect.gather [hbm4b:s4+s16], $0x80, s30, s16, $0xb8;
	[tilespmem:$0x1E800] =	vst v63  }
0x75: {  	_ =	swait.ge [sflag:s20], $0x4000  }
0x76: {  	[sflag:s20] =	ssyncset.done $0x0  }
0x77: {  	s31 =	simm.s32 $0x1480;
	[sflag:s20] =	ssyncadd.s32 $0xFFFFC000  }
0x78: {  	[spmem:s1] =	stream.indirect.scatter.add.f32 [tilespmem:s18], [sflag:$0x3], $0x80, s31, s16, $0xb8;
	[tilespmem:$0x1E800] =	vst v63  }
0x79: {  	_ =	swait.ge [sflag:s14], $0x4000  }
0x7a: {  	s25 =	simm.s32 $0x100;
	s26 =	simm.s32 $0x800;
	[sflag:s14] =	ssyncset.done $0x0  }
.LBB2_4:
0x7b: {  	s28 =	sadd.s32 $0x80, s25  }
0x7c: {  	[sflag:s14] =	ssyncadd.s32 $0xFFFFC000;
	s29 =	smov.u32 s26;
	s30 =	sadd.s32 $0x400, s26  }
0x7d: {  	[tilespmem:s18], [sflag:$0x2] =	stream.indirect.gather [hbm4b:s4+s16], $0x80, s28, s16, $0xb8;
	[tilespmem:$0x1E800] =	vst v63  }
0x7e: {  	p0 =	sne.s32 s26, $0x4800;
	_ =	swait.ge [sflag:s19], $0x4000  }
0x7f: {  	[sflag:s19] =	ssyncset.done $0x0  }
0x80: {  	s26 =	sadd.s32 $0x1400, s25;
	[sflag:s19] =	ssyncadd.s32 $0xFFFFC000  }
0x81: {  	[spmem:s1] =	stream.indirect.scatter.add.f32 [tilespmem:s17], [sflag:$0x3], $0x80, s26, s16, $0xb8;
	[tilespmem:$0x1E800] =	vst v63  }
0x82: {  	_ =	swait.ge [sflag:s14], $0x4000  }
0x83: {  	[sflag:s14] =	ssyncset.done $0x0  }
0x84: {  	s26 =	sadd.s32 $0x100, s25;
	[sflag:s14] =	ssyncadd.s32 $0xFFFFC000  }
0x85: {  	[tilespmem:s17], [sflag:$0x1] =	stream.indirect.gather [hbm4b:s4+s16], $0x80, s26, s16, $0xb8;
	[tilespmem:$0x1E800] =	vst v63  }
0x86: {  	_ =	swait.ge [sflag:s20], $0x4000  }
.Ltmp1:
0x87: {  	[sflag:s20] =	ssyncset.done $0x0;
	(pc) =	sbr.rel @p0 .LBB2_4-.Ltmp1, $4  }
0x88: {  	s25 =	sadd.s32 $0x1480, s25;
	[sflag:s20] =	ssyncadd.s32 $0xFFFFC000  }
0x89: {  	[spmem:s1] =	stream.indirect.scatter.add.f32 [tilespmem:s18], [sflag:$0x3], $0x80, s25, s16, $0xb8;
	[tilespmem:$0x1E800] =	vst v63  }
0x8a: {  	_ =	swait.ge [sflag:s14], $0x4000  }
0x8b: {  	s26 =	smov.u32 s30;
	s25 =	sshra.s32 s29, $0x2;
	[sflag:s14] =	ssyncset.done $0x0  }
0x8c: {  	s26 =	sadd.s32 $0x80, s25;
	[sflag:s14] =	ssyncadd.s32 $0xFFFFC000  }
0x8d: {  	[tilespmem:s18], [sflag:$0x2] =	stream.indirect.gather [hbm4b:s4+s16], $0x80, s26, s16, $0xb8;
	[tilespmem:$0x1E800] =	vst v63  }
0x8e: {  	_ =	swait.ge [sflag:s19], $0x4000  }
0x8f: {  	[sflag:s19] =	ssyncset.done $0x0  }
0x90: {  	s29 =	sadd.s32 $0x1400, s25;
	[sflag:s19] =	ssyncadd.s32 $0xFFFFC000  }
0x91: {  	[spmem:s1] =	stream.indirect.scatter.add.f32 [tilespmem:s17], [sflag:$0x3], $0x80, s29, s16, $0xb8;
	[tilespmem:$0x1E800] =	vst v63  }
0x92: {  	_ =	swait.ge [sflag:s14], $0x4000  }
0x93: {  	[sflag:s14] =	ssyncset.done $0x0  }
0x94: {  	s30 =	sadd.s32 $0x100, s25;
	[sflag:s14] =	ssyncadd.s32 $0xFFFFC000  }
0x95: {  	[tilespmem:s17], [sflag:$0x1] =	stream.indirect.gather [hbm4b:s4+s16], $0x80, s30, s16, $0xb8;
	[tilespmem:$0x1E800] =	vst v63  }
0x96: {  	_ =	swait.ge [sflag:s20], $0x4000  }
0x97: {  	[sflag:s20] =	ssyncset.done $0x0  }
0x98: {  	s31 =	sadd.s32 $0x1480, s25;
	[sflag:s20] =	ssyncadd.s32 $0xFFFFC000  }
0x99: {  	[spmem:s1] =	stream.indirect.scatter.add.f32 [tilespmem:s18], [sflag:$0x3], $0x80, s31, s16, $0xb8;
	[tilespmem:$0x1E800] =	vst v63  }
0x9a: {  	_ =	swait.ge [sflag:s14], $0x4000  }
0x9b: {  	[sflag:s14] =	ssyncset.done $0x0  }
0x9c: {  	[sflag:s14] =	ssyncadd.s32 $0xFFFFC000  }
0x9d: {  	[tilespmem:s18], [sflag:$0x2] =	stream.indirect.gather [hbm4b:s4+s16], $0x80, s21, s16, $0xb8;
	[tilespmem:$0x1E800] =	vst v63  }
0x9e: {  	_ =	swait.ge [sflag:s19], $0x4000  }
0x9f: {  	[sflag:s19] =	ssyncset.done $0x0  }
0xa0: {  	[sflag:s19] =	ssyncadd.s32 $0xFFFFC000  }
0xa1: {  	[spmem:s1] =	stream.indirect.scatter.add.f32 [tilespmem:s17], [sflag:$0x3], $0x80, s22, s16, $0xb8;
	[tilespmem:$0x1E800] =	vst v63  }
0xa2: {  	_ =	swait.ge [sflag:s14], $0x4000  }
0xa3: {  	[sflag:s14] =	ssyncset.done $0x0  }
0xa4: {  	[sflag:s14] =	ssyncadd.s32 $0xFFFFC000  }
0xa5: {  	_ =	swait.ge [sflag:s20], $0x4000  }
0xa6: {  	[sflag:s20] =	ssyncset.done $0x0  }
0xa7: {  	[sflag:s20] =	ssyncadd.s32 $0xFFFFC000  }
0xa8: {  	[spmem:s1] =	stream.indirect.scatter.add.f32 [tilespmem:s18], [sflag:$0x3], $0x80, s23, s16, $0xb8;
	[tilespmem:$0x1E800] =	vst v63  }
0xa9: {  	_ =	swait.ge [sflag:s14], $0x4000  }
0xaa: {  	s24 =	sadd.s32 $0x1, s24;
	[sflag:s14] =	ssyncset.done $0x0  }
0xab: {  	p0 =	sne.s32 s24, s8;
	[sflag:s14] =	ssyncadd.s32 $0xFFFFC000  }
.Ltmp2:
0xac: {  	[bflag:$0x0] =	sbarrier.arrive $0xFFFF;
	(pc) =	sbr.rel @p0 .LBB2_1-.Ltmp2, $4  }
0xad: {  	[hbm:s7], [sflag:s6] =	dma.local [spmem:s13], $0x2800  }
0xae: {  	_ =	swait.ge [sflag:s14], $0x2800  }
0xaf: {  	[sflag:s14] =	ssyncset.done $0x0  }
0xb0: {  	[sflag:s14] =	ssyncadd.s32 $0xFFFFD800  }
0xb1: {  	_ =	sfence.sel $0x180000  }
0xb2: {  	[bflag:$0x0] =	sbarrier.arrive $0xFFFF  }
0xb3: {  	p0 =	sne.s32 s2, $0x0;
	_ =	strace $0x9000004A  }
0xb4: {  	s0 =	sadd.s32 @!p0 $0x100000, s0;
	[bflag:$0x2] =	sbarrier.arrive $0xFFFF  }
0xb5: {  	[sflag:s0] =	ssyncadd.tile.s32 @!p0 $0x1;
	_ =	shalt  }
.Lfunc_end2:
_tile_overlayer_lowered:
.L_overlay_start_2:
0xb6: {  	(tag) =	ssettag $0x2  }
0xb7: {  	s0 =	rddreg [dreg:$0x0];
	s2 =	stileid.u32  }
0xb8: {  	s1 =	rddreg [dreg:$0x1];
	p0 =	sne.s32 s2, $0x0  }
0xb9: {  	s3 =	rddreg [dreg:$0x2];
	[bflag:$0x3] =	sbarrier.arrive $0xFFFF;
	s2 =	simm.s32 @!p0 $0x1C03  }
0xba: {  	[timem:s3], [sflag:s2] =	dma.local @!p0 [hbm:s0], s1  }
0xbb: {  	s0 =	simm.s32 @!p0 $0x3  }
0xbc: {  	_ =	swait.ge @!p0 [sflag:s0], s1  }
0xbd: {  	s1 =	ssub.s32 @!p0 $0x0, s1;
	[sflag:s0] =	ssyncset.done @!p0 $0x0  }
0xbe: {  	[sflag:s0] =	ssyncadd.s32 @!p0 s1  }
0xbf: {  	[bflag:$0x3] =	sbarrier.arrive $0xFFFF  }
0xc0: {  	_ =	shalt  }

</sc_bundles>
